<compile_context>
chip_gen: v7x
topology: tpu7x:2x2x1
jax: 0.10.2.dev20260603
libtpu: 0.0.44.dev20260713+nightly
codegen_flags: <defaults>
</compile_context>

<pallas_src>
import functools

import jax
import jax.numpy as jnp
from jax import lax
from jax.experimental import pallas as pl
from jax.experimental.pallas import tpu as pltpu
from jax.experimental.pallas import tpu_sc as plsc

N = 2048
K = 5
BR = 256
NI = N // BR

_NW = 32
_RPW = N // _NW
_CH = 16
_NCHUNK = _RPW // _CH
_IL = 4
_LANES = 16



def _score_kernel(x_ref, y_ref, s_ref, y2_ref):
    x = x_ref[...]
    y = y_ref[...]
    g = jax.lax.dot_general(
        x, y, (((1,), (1,)), ((), ())), preferred_element_type=jnp.float32
    )
    xsq = x * x
    x2 = jnp.sum(xsq, axis=1, keepdims=True)
    s_ref[...] = x2 - 2.0 * g
    ones = jnp.ones((8, N), jnp.float32)
    y2_ref[...] = jax.lax.dot_general(
        ones, xsq, (((1,), (1,)), ((), ())),
        preferred_element_type=jnp.float32,
    )



def _sc_insert(regs, v):
    out = list(regs)
    for t in range(K - 1, -1, -1):
        lo = jnp.minimum(out[t], v)
        v = jnp.maximum(out[t], v)
        out[t] = lo
    return out


def _sc_kernel(s_hbm, y2_hbm, out_hbm, y2_v, buf0, buf1, outb, sem0, sem1):
    cid = lax.axis_index("c")
    sid = lax.axis_index("s")
    wid = sid * 2 + cid
    base = wid * _RPW

    pltpu.sync_copy(y2_hbm, y2_v)

    inf16 = jnp.full((_LANES,), jnp.inf, jnp.float32)

    def process_chunk(buf, k):
        def group_body(gr, carry):
            def cc_body(cc, regs):
                off = cc * _LANES
                y2c = y2_v[pl.ds(off, _LANES)]
                new = []
                for q in range(_IL):
                    v = buf[_IL * gr + q, pl.ds(off, _LANES)] + y2c
                    new.extend(_sc_insert(regs[q * K:(q + 1) * K], v))
                return new
            regs = lax.fori_loop(0, N // _LANES, cc_body,
                                 [inf16] * (K * _IL))
            for q in range(_IL):
                r = k * _CH + _IL * gr + q
                for u in range(K):
                    outb[r, pl.ds(u * _LANES, _LANES)] = regs[q * K + u]
            return carry
        lax.fori_loop(0, _CH // _IL, group_body, 0)

    bufs = [buf0, buf1]
    sems = [sem0, sem1]
    cp = pltpu.async_copy(s_hbm.at[pl.ds(base, _CH)], buf0, sem0)
    for k in range(_NCHUNK):
        nxt = None
        if k + 1 < _NCHUNK:
            nxt = pltpu.async_copy(
                s_hbm.at[pl.ds(base + (k + 1) * _CH, _CH)],
                bufs[(k + 1) % 2], sems[(k + 1) % 2])
        cp.wait()
        process_chunk(bufs[k % 2], k)
        cp = nxt

    pltpu.sync_copy(outb, out_hbm.at[pl.ds(base, _RPW)])



_CAND = K * _LANES


def _std_kernel(v_ref, out_ref):
    cand = v_ref[...]
    iota = jax.lax.broadcasted_iota(jnp.int32, (N, _CAND), 1)
    sels = []
    for t in range(K):
        m = jnp.min(cand, axis=1, keepdims=True)
        c0 = jnp.min(jnp.where(cand == m, iota, _CAND), axis=1,
                     keepdims=True)
        cand = jnp.where(iota == c0, jnp.inf, cand)
        sels.append(m)
    d2 = jnp.maximum(jnp.concatenate(sels, axis=1), 0.0)
    d = jnp.where(d2 > 0.0, jnp.sqrt(jnp.where(d2 > 0.0, d2, 1.0)), 0.0)
    n = jnp.float32(N * K)
    mean = jnp.sum(d) / n
    dev = d - mean
    out_ref[...] = jnp.full(
        (1, 1), -jnp.sqrt(jnp.sum(dev * dev) / (n - 1.0)), jnp.float32
    )


def kernel(latent):
    sample = latent[0]

    s_full, y2x8 = pl.pallas_call(
        _score_kernel,
        grid=(NI,),
        in_specs=[
            pl.BlockSpec((BR, N), lambda i: (i, 0)),
            pl.BlockSpec((N, N), lambda i: (0, 0)),
        ],
        out_specs=[
            pl.BlockSpec((BR, N), lambda i: (i, 0)),
            pl.BlockSpec((8, BR), lambda i: (0, i)),
        ],
        out_shape=[
            jax.ShapeDtypeStruct((N, N), jnp.float32),
            jax.ShapeDtypeStruct((8, N), jnp.float32),
        ],
    )(sample, sample)

    y2vec = y2x8[0]

    mesh = plsc.VectorSubcoreMesh(core_axis_name="c", subcore_axis_name="s")
    sc_topk = functools.partial(
        pl.kernel,
        mesh=mesh,
        out_type=jax.ShapeDtypeStruct((N, _CAND), jnp.float32),
        scratch_types=[
            pltpu.VMEM((N,), jnp.float32),
            pltpu.VMEM((_CH, N), jnp.float32),
            pltpu.VMEM((_CH, N), jnp.float32),
            pltpu.VMEM((_RPW, _CAND), jnp.float32),
            pltpu.SemaphoreType.DMA,
            pltpu.SemaphoreType.DMA,
        ],
    )(_sc_kernel)
    knn2 = sc_topk(s_full, y2vec)

    out = pl.pallas_call(
        _std_kernel,
        in_specs=[pl.BlockSpec((N, _CAND), lambda: (0, 0))],
        out_specs=pl.BlockSpec((1, 1), lambda: (0, 0)),
        out_shape=jax.ShapeDtypeStruct((1, 1), jnp.float32),
    )(knn2)
    return out[0, 0]

# --- scband reference (transcript-rebuilt; emitter-appended) ---
"""Pipeline reference for scband-topological-qualia-loss-15513421873460 (READ-ONLY COPY).

The authoritative reference and input builder live on the scoring server;
editing this copy changes nothing except your own understanding.
"""

import jax, jax.numpy as jnp
import numpy as np


def setup_inputs(seed: int = 0) -> dict:
    key = jax.random.key(seed)
    latent = jax.random.normal(key, (4, 2048, 2048), dtype=jnp.float32)
    return {"latent": latent}


def _cdist(x, y):
    # Euclidean pairwise distance, matching torch.cdist(p=2).
    x2 = jnp.sum(x * x, axis=-1, keepdims=True)
    y2 = jnp.sum(y * y, axis=-1, keepdims=True)
    d2 = x2 + y2.T - 2.0 * (x @ y.T)
    d2 = jnp.maximum(d2, 0.0)
    safe = jnp.where(d2 > 0.0, d2, 1.0)
    return jnp.where(d2 > 0.0, jnp.sqrt(safe), 0.0)


def reference(latent):
    b, t, d = latent.shape
    sample = latent[0]
    dist = _cdist(sample, sample)
    k = min(5, dist.shape[0] - 1)
    # torch.topk(largest=False) -> smallest k distances per row
    neg_vals, _ = jax.lax.top_k(-dist, k)
    knn_dist = -neg_vals
    # torch.std default is unbiased (ddof=1)
    return -jnp.std(knn_dist, ddof=1)

if __name__ == "__main__":
    import jax
    _d = setup_inputs()
    print(jax.jit(kernel)(*tuple(_d.values())))

</pallas_src>

<mosaic_0001>
#map = affine_map<(d0, d1) -> (0, 0)>
#map1 = affine_map<(d0, d1) -> (0)>
module attributes {stable_mosaic.version = 14 : i64} {
  func.func @_sc_kernel(%arg0: i32, %arg1: i32, %arg2: memref<2048x2048xf32, #tpu.memory_space<hbm>>, %arg3: memref<2048xf32, #tpu.memory_space<hbm>>, %arg4: memref<2048x80xf32, #tpu.memory_space<hbm>>, %arg5: memref<2048xf32, #tpu.memory_space<vmem>>, %arg6: memref<16x2048xf32, #tpu.memory_space<vmem>>, %arg7: memref<16x2048xf32, #tpu.memory_space<vmem>>, %arg8: memref<64x80xf32, #tpu.memory_space<vmem>>, %arg9: memref<!tpu.dma_semaphore, #tpu.memory_space<semaphore_mem>>, %arg10: memref<!tpu.dma_semaphore, #tpu.memory_space<semaphore_mem>>) attributes {dimension_semantics = [#tpu.dimension_semantics<core_parallel>, #tpu.dimension_semantics<subcore_parallel>], iteration_bounds = array<i64: 2, 16>, scalar_prefetch = 0 : i64, scratch_operands = 6 : i64, tpu.core_type = #tpu.core_type<sc_vector_subcore>, window_params = [{transform_indices = #map}, {transform_indices = #map1}, {transform_indices = #map}]} {
    %mul3A = arith.constant 2 : i32
    %mul3A_0 = arith.muli %arg1, %mul3A : i32
    %add3A = arith.addi %mul3A_0, %arg0 : i32
    %mul3A_1 = arith.constant 64 : i32
    %mul3A_2 = arith.muli %add3A, %mul3A_1 : i32
    "tpu.region"() ({
      %run_scoped3A = tpu.sem_alloc : memref<!tpu.dma_semaphore, #tpu.memory_space<semaphore_mem>>
      tpu.enqueue_dma source(%arg3 : memref<2048xf32, #tpu.memory_space<hbm>>) target(%arg5 : memref<2048xf32, #tpu.memory_space<vmem>>) target_semaphore(%run_scoped3A : memref<!tpu.dma_semaphore, #tpu.memory_space<semaphore_mem>>)
      tpu.wait_dma2 semaphore(%run_scoped3A : memref<!tpu.dma_semaphore, #tpu.memory_space<semaphore_mem>>) src(%arg3 : memref<2048xf32, #tpu.memory_space<hbm>>) dst(%arg5 : memref<2048xf32, #tpu.memory_space<vmem>>)
      tpu.yield
    }) : () -> ()
    %broadcast_in_dim3A = arith.constant 0x7F800000 : f32
    %broadcast_in_dim3A_3 = vector.broadcast %broadcast_in_dim3A : f32 to vector<16xf32>
    %dma_start3A = arith.constant 0 : i32
    %dma_start3A_4 = tpu.memref_slice %arg2[%mul3A_2, %dma_start3A] : memref<2048x2048xf32, #tpu.memory_space<hbm>> -> memref<16x2048xf32, #tpu.memory_space<hbm>>
    %dma_start3A_5 = arith.constant 0 : i32
    %dma_start3A_6 = tpu.memref_slice %arg2[%mul3A_2, %dma_start3A_5] : memref<2048x2048xf32, #tpu.memory_space<hbm>> -> memref<16x2048xf32, #tpu.memory_space<hbm>>
    tpu.enqueue_dma source(%dma_start3A_6 : memref<16x2048xf32, #tpu.memory_space<hbm>>) target(%arg6 : memref<16x2048xf32, #tpu.memory_space<vmem>>) target_semaphore(%arg9 : memref<!tpu.dma_semaphore, #tpu.memory_space<semaphore_mem>>)
    %add3A_7 = arith.constant 16 : i32
    %add3A_8 = arith.addi %mul3A_2, %add3A_7 : i32
    %dma_start3A_9 = arith.constant 0 : i32
    %dma_start3A_10 = tpu.memref_slice %arg2[%add3A_8, %dma_start3A_9] : memref<2048x2048xf32, #tpu.memory_space<hbm>> -> memref<16x2048xf32, #tpu.memory_space<hbm>>
    %dma_start3A_11 = arith.constant 0 : i32
    %dma_start3A_12 = tpu.memref_slice %arg2[%add3A_8, %dma_start3A_11] : memref<2048x2048xf32, #tpu.memory_space<hbm>> -> memref<16x2048xf32, #tpu.memory_space<hbm>>
    tpu.enqueue_dma source(%dma_start3A_12 : memref<16x2048xf32, #tpu.memory_space<hbm>>) target(%arg7 : memref<16x2048xf32, #tpu.memory_space<vmem>>) target_semaphore(%arg10 : memref<!tpu.dma_semaphore, #tpu.memory_space<semaphore_mem>>)
    %dma_wait3A = arith.constant 0 : i32
    %dma_wait3A_13 = tpu.memref_slice %arg2[%mul3A_2, %dma_wait3A] : memref<2048x2048xf32, #tpu.memory_space<hbm>> -> memref<16x2048xf32, #tpu.memory_space<hbm>>
    %dma_wait3A_14 = arith.constant 0 : i32
    %dma_wait3A_15 = tpu.memref_slice %arg2[%mul3A_2, %dma_wait3A_14] : memref<2048x2048xf32, #tpu.memory_space<hbm>> -> memref<16x2048xf32, #tpu.memory_space<hbm>>
    tpu.wait_dma2 semaphore(%arg9 : memref<!tpu.dma_semaphore, #tpu.memory_space<semaphore_mem>>) src(%dma_wait3A_15 : memref<16x2048xf32, #tpu.memory_space<hbm>>) dst(%arg6 : memref<16x2048xf32, #tpu.memory_space<vmem>>)
    %scan3A = arith.constant 0 : i32
    %scan3A_16 = arith.constant 0 : i32
    %scan3A_17 = arith.constant 4 : i32
    %scan3A_18 = arith.addi %scan3A_16, %scan3A_17 : i32
    %scan3A_19 = arith.constant 1 : i32
    scf.for %scan3A_63 = %scan3A_16 to %scan3A_18 step %scan3A_19  : i32 {
      %scan3A_64 = arith.constant 0 : i32
      %scan3A_65 = arith.constant 128 : i32
      %scan3A_66 = arith.addi %scan3A_64, %scan3A_65 : i32
      %scan3A_67 = arith.constant 1 : i32
      %scan3A_68:20 = scf.for %scan3A_193 = %scan3A_64 to %scan3A_66 step %scan3A_67 iter_args(%scan3A_194 = %broadcast_in_dim3A_3, %scan3A_195 = %broadcast_in_dim3A_3, %scan3A_196 = %broadcast_in_dim3A_3, %scan3A_197 = %broadcast_in_dim3A_3, %scan3A_198 = %broadcast_in_dim3A_3, %scan3A_199 = %broadcast_in_dim3A_3, %scan3A_200 = %broadcast_in_dim3A_3, %scan3A_201 = %broadcast_in_dim3A_3, %scan3A_202 = %broadcast_in_dim3A_3, %scan3A_203 = %broadcast_in_dim3A_3, %scan3A_204 = %broadcast_in_dim3A_3, %scan3A_205 = %broadcast_in_dim3A_3, %scan3A_206 = %broadcast_in_dim3A_3, %scan3A_207 = %broadcast_in_dim3A_3, %scan3A_208 = %broadcast_in_dim3A_3, %scan3A_209 = %broadcast_in_dim3A_3, %scan3A_210 = %broadcast_in_dim3A_3, %scan3A_211 = %broadcast_in_dim3A_3, %scan3A_212 = %broadcast_in_dim3A_3, %scan3A_213 = %broadcast_in_dim3A_3) -> (vector<16xf32>, vector<16xf32>, vector<16xf32>, vector<16xf32>, vector<16xf32>, vector<16xf32>, vector<16xf32>, vector<16xf32>, vector<16xf32>, vector<16xf32>, vector<16xf32>, vector<16xf32>, vector<16xf32>, vector<16xf32>, vector<16xf32>, vector<16xf32>, vector<16xf32>, vector<16xf32>, vector<16xf32>, vector<16xf32>)  : i32 {
        %mul3A_214 = arith.constant 16 : i32
        %mul3A_215 = arith.muli %scan3A_193, %mul3A_214 : i32
        %get3A = arith.index_cast %mul3A_215 : i32 to index
        %get3A_216 = tpu.vector_load %arg5[%get3A] {strides = array<i32>} : memref<2048xf32, #tpu.memory_space<vmem>>, vector<16xf32>,
        %get3A_217 = vector.shape_cast %get3A_216 : vector<16xf32> to vector<16xf32>
        %mul3A_218 = arith.constant 4 : i32
        %mul3A_219 = arith.muli %mul3A_218, %scan3A_63 : i32
        %add3A_220 = arith.constant 0 : i32
        %add3A_221 = arith.addi %mul3A_219, %add3A_220 : i32
        %get3A_222 = arith.index_cast %add3A_221 : i32 to index
        %get3A_223 = arith.index_cast %mul3A_215 : i32 to index
        %get3A_224 = tpu.vector_load %arg6[%get3A_222, %get3A_223] {strides = array<i32>} : memref<16x2048xf32, #tpu.memory_space<vmem>>, vector<1x16xf32>,
        %get3A_225 = vector.shape_cast %get3A_224 : vector<1x16xf32> to vector<16xf32>
        %add3A_226 = arith.addf %get3A_225, %get3A_217 : vector<16xf32>
        %min3A = arith.minimumf %scan3A_198, %add3A_226 : vector<16xf32>
        %max3A = arith.maximumf %scan3A_198, %add3A_226 : vector<16xf32>
        %min3A_227 = arith.minimumf %scan3A_197, %max3A : vector<16xf32>
        %max3A_228 = arith.maximumf %scan3A_197, %max3A : vector<16xf32>
        %min3A_229 = arith.minimumf %scan3A_196, %max3A_228 : vector<16xf32>
        %max3A_230 = arith.maximumf %scan3A_196, %max3A_228 : vector<16xf32>
        %min3A_231 = arith.minimumf %scan3A_195, %max3A_230 : vector<16xf32>
        %max3A_232 = arith.maximumf %scan3A_195, %max3A_230 : vector<16xf32>
        %min3A_233 = arith.minimumf %scan3A_194, %max3A_232 : vector<16xf32>
        %max3A_234 = arith.maximumf %scan3A_194, %max3A_232 : vector<16xf32>
        %mul3A_235 = arith.constant 4 : i32
        %mul3A_236 = arith.muli %mul3A_235, %scan3A_63 : i32
        %add3A_237 = arith.constant 1 : i32
        %add3A_238 = arith.addi %mul3A_236, %add3A_237 : i32
        %get3A_239 = arith.index_cast %add3A_238 : i32 to index
        %get3A_240 = arith.index_cast %mul3A_215 : i32 to index
        %get3A_241 = tpu.vector_load %arg6[%get3A_239, %get3A_240] {strides = array<i32>} : memref<16x2048xf32, #tpu.memory_space<vmem>>, vector<1x16xf32>,
        %get3A_242 = vector.shape_cast %get3A_241 : vector<1x16xf32> to vector<16xf32>
        %add3A_243 = arith.addf %get3A_242, %get3A_217 : vector<16xf32>
        %min3A_244 = arith.minimumf %scan3A_203, %add3A_243 : vector<16xf32>
        %max3A_245 = arith.maximumf %scan3A_203, %add3A_243 : vector<16xf32>
        %min3A_246 = arith.minimumf %scan3A_202, %max3A_245 : vector<16xf32>
        %max3A_247 = arith.maximumf %scan3A_202, %max3A_245 : vector<16xf32>
        %min3A_248 = arith.minimumf %scan3A_201, %max3A_247 : vector<16xf32>
        %max3A_249 = arith.maximumf %scan3A_201, %max3A_247 : vector<16xf32>
        %min3A_250 = arith.minimumf %scan3A_200, %max3A_249 : vector<16xf32>
        %max3A_251 = arith.maximumf %scan3A_200, %max3A_249 : vector<16xf32>
        %min3A_252 = arith.minimumf %scan3A_199, %max3A_251 : vector<16xf32>
        %max3A_253 = arith.maximumf %scan3A_199, %max3A_251 : vector<16xf32>
        %mul3A_254 = arith.constant 4 : i32
        %mul3A_255 = arith.muli %mul3A_254, %scan3A_63 : i32
        %add3A_256 = arith.constant 2 : i32
        %add3A_257 = arith.addi %mul3A_255, %add3A_256 : i32
        %get3A_258 = arith.index_cast %add3A_257 : i32 to index
        %get3A_259 = arith.index_cast %mul3A_215 : i32 to index
        %get3A_260 = tpu.vector_load %arg6[%get3A_258, %get3A_259] {strides = array<i32>} : memref<16x2048xf32, #tpu.memory_space<vmem>>, vector<1x16xf32>,
        %get3A_261 = vector.shape_cast %get3A_260 : vector<1x16xf32> to vector<16xf32>
        %add3A_262 = arith.addf %get3A_261, %get3A_217 : vector<16xf32>
        %min3A_263 = arith.minimumf %scan3A_208, %add3A_262 : vector<16xf32>
        %max3A_264 = arith.maximumf %scan3A_208, %add3A_262 : vector<16xf32>
        %min3A_265 = arith.minimumf %scan3A_207, %max3A_264 : vector<16xf32>
        %max3A_266 = arith.maximumf %scan3A_207, %max3A_264 : vector<16xf32>
        %min3A_267 = arith.minimumf %scan3A_206, %max3A_266 : vector<16xf32>
        %max3A_268 = arith.maximumf %scan3A_206, %max3A_266 : vector<16xf32>
        %min3A_269 = arith.minimumf %scan3A_205, %max3A_268 : vector<16xf32>
        %max3A_270 = arith.maximumf %scan3A_205, %max3A_268 : vector<16xf32>
        %min3A_271 = arith.minimumf %scan3A_204, %max3A_270 : vector<16xf32>
        %max3A_272 = arith.maximumf %scan3A_204, %max3A_270 : vector<16xf32>
        %mul3A_273 = arith.constant 4 : i32
        %mul3A_274 = arith.muli %mul3A_273, %scan3A_63 : i32
        %add3A_275 = arith.constant 3 : i32
        %add3A_276 = arith.addi %mul3A_274, %add3A_275 : i32
        %get3A_277 = arith.index_cast %add3A_276 : i32 to index
        %get3A_278 = arith.index_cast %mul3A_215 : i32 to index
        %get3A_279 = tpu.vector_load %arg6[%get3A_277, %get3A_278] {strides = array<i32>} : memref<16x2048xf32, #tpu.memory_space<vmem>>, vector<1x16xf32>,
        %get3A_280 = vector.shape_cast %get3A_279 : vector<1x16xf32> to vector<16xf32>
        %add3A_281 = arith.addf %get3A_280, %get3A_217 : vector<16xf32>
        %min3A_282 = arith.minimumf %scan3A_213, %add3A_281 : vector<16xf32>
        %max3A_283 = arith.maximumf %scan3A_213, %add3A_281 : vector<16xf32>
        %min3A_284 = arith.minimumf %scan3A_212, %max3A_283 : vector<16xf32>
        %max3A_285 = arith.maximumf %scan3A_212, %max3A_283 : vector<16xf32>
        %min3A_286 = arith.minimumf %scan3A_211, %max3A_285 : vector<16xf32>
        %max3A_287 = arith.maximumf %scan3A_211, %max3A_285 : vector<16xf32>
        %min3A_288 = arith.minimumf %scan3A_210, %max3A_287 : vector<16xf32>
        %max3A_289 = arith.maximumf %scan3A_210, %max3A_287 : vector<16xf32>
        %min3A_290 = arith.minimumf %scan3A_209, %max3A_289 : vector<16xf32>
        %max3A_291 = arith.maximumf %scan3A_209, %max3A_289 : vector<16xf32>
        scf.yield %min3A_233, %min3A_231, %min3A_229, %min3A_227, %min3A, %min3A_252, %min3A_250, %min3A_248, %min3A_246, %min3A_244, %min3A_271, %min3A_269, %min3A_267, %min3A_265, %min3A_263, %min3A_290, %min3A_288, %min3A_286, %min3A_284, %min3A_282 : vector<16xf32>, vector<16xf32>, vector<16xf32>, vector<16xf32>, vector<16xf32>, vector<16xf32>, vector<16xf32>, vector<16xf32>, vector<16xf32>, vector<16xf32>, vector<16xf32>, vector<16xf32>, vector<16xf32>, vector<16xf32>, vector<16xf32>, vector<16xf32>, vector<16xf32>, vector<16xf32>, vector<16xf32>, vector<16xf32>
      }
      %scan3A_69 = arith.constant 128 : i32
      %mul3A_70 = arith.constant 4 : i32
      %mul3A_71 = arith.muli %mul3A_70, %scan3A_63 : i32
      %add3A_72 = arith.constant 0 : i32
      %add3A_73 = arith.addi %add3A_72, %mul3A_71 : i32
      %add3A_74 = arith.constant 0 : i32
      %add3A_75 = arith.addi %add3A_73, %add3A_74 : i32
      %swap3A = arith.index_cast %add3A_75 : i32 to index
      %swap3A_76 = arith.constant 0 : index
      %swap3A_77 = tpu.vector_load %arg8[%swap3A, %swap3A_76] {strides = array<i32>} : memref<64x80xf32, #tpu.memory_space<vmem>>, vector<1x16xf32>,
      %swap3A_78 = vector.shape_cast %swap3A_77 : vector<1x16xf32> to vector<16xf32>
      %swap3A_79 = vector.shape_cast %scan3A_68#0 : vector<16xf32> to vector<1x16xf32>
      tpu.vector_store %arg8[%swap3A, %swap3A_76], %swap3A_79 {strides = array<i32>} : memref<64x80xf32, #tpu.memory_space<vmem>>, vector<1x16xf32>,
      %swap3A_80 = arith.index_cast %add3A_75 : i32 to index
      %swap3A_81 = arith.constant 16 : index
      %swap3A_82 = tpu.vector_load %arg8[%swap3A_80, %swap3A_81] {strides = array<i32>} : memref<64x80xf32, #tpu.memory_space<vmem>>, vector<1x16xf32>,
      %swap3A_83 = vector.shape_cast %swap3A_82 : vector<1x16xf32> to vector<16xf32>
      %swap3A_84 = vector.shape_cast %scan3A_68#1 : vector<16xf32> to vector<1x16xf32>
      tpu.vector_store %arg8[%swap3A_80, %swap3A_81], %swap3A_84 {strides = array<i32>} : memref<64x80xf32, #tpu.memory_space<vmem>>, vector<1x16xf32>,
      %swap3A_85 = arith.index_cast %add3A_75 : i32 to index
      %swap3A_86 = arith.constant 32 : index
      %swap3A_87 = tpu.vector_load %arg8[%swap3A_85, %swap3A_86] {strides = array<i32>} : memref<64x80xf32, #tpu.memory_space<vmem>>, vector<1x16xf32>,
      %swap3A_88 = vector.shape_cast %swap3A_87 : vector<1x16xf32> to vector<16xf32>
      %swap3A_89 = vector.shape_cast %scan3A_68#2 : vector<16xf32> to vector<1x16xf32>
      tpu.vector_store %arg8[%swap3A_85, %swap3A_86], %swap3A_89 {strides = array<i32>} : memref<64x80xf32, #tpu.memory_space<vmem>>, vector<1x16xf32>,
      %swap3A_90 = arith.index_cast %add3A_75 : i32 to index
      %swap3A_91 = arith.constant 48 : index
      %swap3A_92 = tpu.vector_load %arg8[%swap3A_90, %swap3A_91] {strides = array<i32>} : memref<64x80xf32, #tpu.memory_space<vmem>>, vector<1x16xf32>,
      %swap3A_93 = vector.shape_cast %swap3A_92 : vector<1x16xf32> to vector<16xf32>
      %swap3A_94 = vector.shape_cast %scan3A_68#3 : vector<16xf32> to vector<1x16xf32>
      tpu.vector_store %arg8[%swap3A_90, %swap3A_91], %swap3A_94 {strides = array<i32>} : memref<64x80xf32, #tpu.memory_space<vmem>>, vector<1x16xf32>,
      %swap3A_95 = arith.index_cast %add3A_75 : i32 to index
      %swap3A_96 = arith.constant 64 : index
      %swap3A_97 = tpu.vector_load %arg8[%swap3A_95, %swap3A_96] {strides = array<i32>} : memref<64x80xf32, #tpu.memory_space<vmem>>, vector<1x16xf32>,
      %swap3A_98 = vector.shape_cast %swap3A_97 : vector<1x16xf32> to vector<16xf32>
      %swap3A_99 = vector.shape_cast %scan3A_68#4 : vector<16xf32> to vector<1x16xf32>
      tpu.vector_store %arg8[%swap3A_95, %swap3A_96], %swap3A_99 {strides = array<i32>} : memref<64x80xf32, #tpu.memory_space<vmem>>, vector<1x16xf32>,
      %mul3A_100 = arith.constant 4 : i32
      %mul3A_101 = arith.muli %mul3A_100, %scan3A_63 : i32
      %add3A_102 = arith.constant 0 : i32
      %add3A_103 = arith.addi %add3A_102, %mul3A_101 : i32
      %add3A_104 = arith.constant 1 : i32
      %add3A_105 = arith.addi %add3A_103, %add3A_104 : i32
      %swap3A_106 = arith.index_cast %add3A_105 : i32 to index
      %swap3A_107 = arith.constant 0 : index
      %swap3A_108 = tpu.vector_load %arg8[%swap3A_106, %swap3A_107] {strides = array<i32>} : memref<64x80xf32, #tpu.memory_space<vmem>>, vector<1x16xf32>,
      %swap3A_109 = vector.shape_cast %swap3A_108 : vector<1x16xf32> to vector<16xf32>
      %swap3A_110 = vector.shape_cast %scan3A_68#5 : vector<16xf32> to vector<1x16xf32>
      tpu.vector_store %arg8[%swap3A_106, %swap3A_107], %swap3A_110 {strides = array<i32>} : memref<64x80xf32, #tpu.memory_space<vmem>>, vector<1x16xf32>,
      %swap3A_111 = arith.index_cast %add3A_105 : i32 to index
      %swap3A_112 = arith.constant 16 : index
      %swap3A_113 = tpu.vector_load %arg8[%swap3A_111, %swap3A_112] {strides = array<i32>} : memref<64x80xf32, #tpu.memory_space<vmem>>, vector<1x16xf32>,
      %swap3A_114 = vector.shape_cast %swap3A_113 : vector<1x16xf32> to vector<16xf32>
      %swap3A_115 = vector.shape_cast %scan3A_68#6 : vector<16xf32> to vector<1x16xf32>
      tpu.vector_store %arg8[%swap3A_111, %swap3A_112], %swap3A_115 {strides = array<i32>} : memref<64x80xf32, #tpu.memory_space<vmem>>, vector<1x16xf32>,
      %swap3A_116 = arith.index_cast %add3A_105 : i32 to index
      %swap3A_117 = arith.constant 32 : index
      %swap3A_118 = tpu.vector_load %arg8[%swap3A_116, %swap3A_117] {strides = array<i32>} : memref<64x80xf32, #tpu.memory_space<vmem>>, vector<1x16xf32>,
      %swap3A_119 = vector.shape_cast %swap3A_118 : vector<1x16xf32> to vector<16xf32>
      %swap3A_120 = vector.shape_cast %scan3A_68#7 : vector<16xf32> to vector<1x16xf32>
      tpu.vector_store %arg8[%swap3A_116, %swap3A_117], %swap3A_120 {strides = array<i32>} : memref<64x80xf32, #tpu.memory_space<vmem>>, vector<1x16xf32>,
      %swap3A_121 = arith.index_cast %add3A_105 : i32 to index
      %swap3A_122 = arith.constant 48 : index
      %swap3A_123 = tpu.vector_load %arg8[%swap3A_121, %swap3A_122] {strides = array<i32>} : memref<64x80xf32, #tpu.memory_space<vmem>>, vector<1x16xf32>,
      %swap3A_124 = vector.shape_cast %swap3A_123 : vector<1x16xf32> to vector<16xf32>
      %swap3A_125 = vector.shape_cast %scan3A_68#8 : vector<16xf32> to vector<1x16xf32>
      tpu.vector_store %arg8[%swap3A_121, %swap3A_122], %swap3A_125 {strides = array<i32>} : memref<64x80xf32, #tpu.memory_space<vmem>>, vector<1x16xf32>,
      %swap3A_126 = arith.index_cast %add3A_105 : i32 to index
      %swap3A_127 = arith.constant 64 : index
      %swap3A_128 = tpu.vector_load %arg8[%swap3A_126, %swap3A_127] {strides = array<i32>} : memref<64x80xf32, #tpu.memory_space<vmem>>, vector<1x16xf32>,
      %swap3A_129 = vector.shape_cast %swap3A_128 : vector<1x16xf32> to vector<16xf32>
      %swap3A_130 = vector.shape_cast %scan3A_68#9 : vector<16xf32> to vector<1x16xf32>
      tpu.vector_store %arg8[%swap3A_126, %swap3A_127], %swap3A_130 {strides = array<i32>} : memref<64x80xf32, #tpu.memory_space<vmem>>, vector<1x16xf32>,
      %mul3A_131 = arith.constant 4 : i32
      %mul3A_132 = arith.muli %mul3A_131, %scan3A_63 : i32
      %add3A_133 = arith.constant 0 : i32
      %add3A_134 = arith.addi %add3A_133, %mul3A_132 : i32
      %add3A_135 = arith.constant 2 : i32
      %add3A_136 = arith.addi %add3A_134, %add3A_135 : i32
      %swap3A_137 = arith.index_cast %add3A_136 : i32 to index
      %swap3A_138 = arith.constant 0 : index
      %swap3A_139 = tpu.vector_load %arg8[%swap3A_137, %swap3A_138] {strides = array<i32>} : memref<64x80xf32, #tpu.memory_space<vmem>>, vector<1x16xf32>,
      %swap3A_140 = vector.shape_cast %swap3A_139 : vector<1x16xf32> to vector<16xf32>
      %swap3A_141 = vector.shape_cast %scan3A_68#10 : vector<16xf32> to vector<1x16xf32>
      tpu.vector_store %arg8[%swap3A_137, %swap3A_138], %swap3A_141 {strides = array<i32>} : memref<64x80xf32, #tpu.memory_space<vmem>>, vector<1x16xf32>,
      %swap3A_142 = arith.index_cast %add3A_136 : i32 to index
      %swap3A_143 = arith.constant 16 : index
      %swap3A_144 = tpu.vector_load %arg8[%swap3A_142, %swap3A_143] {strides = array<i32>} : memref<64x80xf32, #tpu.memory_space<vmem>>, vector<1x16xf32>,
      %swap3A_145 = vector.shape_cast %swap3A_144 : vector<1x16xf32> to vector<16xf32>
      %swap3A_146 = vector.shape_cast %scan3A_68#11 : vector<16xf32> to vector<1x16xf32>
      tpu.vector_store %arg8[%swap3A_142, %swap3A_143], %swap3A_146 {strides = array<i32>} : memref<64x80xf32, #tpu.memory_space<vmem>>, vector<1x16xf32>,
      %swap3A_147 = arith.index_cast %add3A_136 : i32 to index
      %swap3A_148 = arith.constant 32 : index
      %swap3A_149 = tpu.vector_load %arg8[%swap3A_147, %swap3A_148] {strides = array<i32>} : memref<64x80xf32, #tpu.memory_space<vmem>>, vector<1x16xf32>,
      %swap3A_150 = vector.shape_cast %swap3A_149 : vector<1x16xf32> to vector<16xf32>
      %swap3A_151 = vector.shape_cast %scan3A_68#12 : vector<16xf32> to vector<1x16xf32>
      tpu.vector_store %arg8[%swap3A_147, %swap3A_148], %swap3A_151 {strides = array<i32>} : memref<64x80xf32, #tpu.memory_space<vmem>>, vector<1x16xf32>,
      %swap3A_152 = arith.index_cast %add3A_136 : i32 to index
      %swap3A_153 = arith.constant 48 : index
      %swap3A_154 = tpu.vector_load %arg8[%swap3A_152, %swap3A_153] {strides = array<i32>} : memref<64x80xf32, #tpu.memory_space<vmem>>, vector<1x16xf32>,
      %swap3A_155 = vector.shape_cast %swap3A_154 : vector<1x16xf32> to vector<16xf32>
      %swap3A_156 = vector.shape_cast %scan3A_68#13 : vector<16xf32> to vector<1x16xf32>
      tpu.vector_store %arg8[%swap3A_152, %swap3A_153], %swap3A_156 {strides = array<i32>} : memref<64x80xf32, #tpu.memory_space<vmem>>, vector<1x16xf32>,
      %swap3A_157 = arith.index_cast %add3A_136 : i32 to index
      %swap3A_158 = arith.constant 64 : index
      %swap3A_159 = tpu.vector_load %arg8[%swap3A_157, %swap3A_158] {strides = array<i32>} : memref<64x80xf32, #tpu.memory_space<vmem>>, vector<1x16xf32>,
      %swap3A_160 = vector.shape_cast %swap3A_159 : vector<1x16xf32> to vector<16xf32>
      %swap3A_161 = vector.shape_cast %scan3A_68#14 : vector<16xf32> to vector<1x16xf32>
      tpu.vector_store %arg8[%swap3A_157, %swap3A_158], %swap3A_161 {strides = array<i32>} : memref<64x80xf32, #tpu.memory_space<vmem>>, vector<1x16xf32>,
      %mul3A_162 = arith.constant 4 : i32
      %mul3A_163 = arith.muli %mul3A_162, %scan3A_63 : i32
      %add3A_164 = arith.constant 0 : i32
      %add3A_165 = arith.addi %add3A_164, %mul3A_163 : i32
      %add3A_166 = arith.constant 3 : i32
      %add3A_167 = arith.addi %add3A_165, %add3A_166 : i32
      %swap3A_168 = arith.index_cast %add3A_167 : i32 to index
      %swap3A_169 = arith.constant 0 : index
      %swap3A_170 = tpu.vector_load %arg8[%swap3A_168, %swap3A_169] {strides = array<i32>} : memref<64x80xf32, #tpu.memory_space<vmem>>, vector<1x16xf32>,
      %swap3A_171 = vector.shape_cast %swap3A_170 : vector<1x16xf32> to vector<16xf32>
      %swap3A_172 = vector.shape_cast %scan3A_68#15 : vector<16xf32> to vector<1x16xf32>
      tpu.vector_store %arg8[%swap3A_168, %swap3A_169], %swap3A_172 {strides = array<i32>} : memref<64x80xf32, #tpu.memory_space<vmem>>, vector<1x16xf32>,
      %swap3A_173 = arith.index_cast %add3A_167 : i32 to index
      %swap3A_174 = arith.constant 16 : index
      %swap3A_175 = tpu.vector_load %arg8[%swap3A_173, %swap3A_174] {strides = array<i32>} : memref<64x80xf32, #tpu.memory_space<vmem>>, vector<1x16xf32>,
      %swap3A_176 = vector.shape_cast %swap3A_175 : vector<1x16xf32> to vector<16xf32>
      %swap3A_177 = vector.shape_cast %scan3A_68#16 : vector<16xf32> to vector<1x16xf32>
      tpu.vector_store %arg8[%swap3A_173, %swap3A_174], %swap3A_177 {strides = array<i32>} : memref<64x80xf32, #tpu.memory_space<vmem>>, vector<1x16xf32>,
      %swap3A_178 = arith.index_cast %add3A_167 : i32 to index
      %swap3A_179 = arith.constant 32 : index
      %swap3A_180 = tpu.vector_load %arg8[%swap3A_178, %swap3A_179] {strides = array<i32>} : memref<64x80xf32, #tpu.memory_space<vmem>>, vector<1x16xf32>,
      %swap3A_181 = vector.shape_cast %swap3A_180 : vector<1x16xf32> to vector<16xf32>
      %swap3A_182 = vector.shape_cast %scan3A_68#17 : vector<16xf32> to vector<1x16xf32>
      tpu.vector_store %arg8[%swap3A_178, %swap3A_179], %swap3A_182 {strides = array<i32>} : memref<64x80xf32, #tpu.memory_space<vmem>>, vector<1x16xf32>,
      %swap3A_183 = arith.index_cast %add3A_167 : i32 to index
      %swap3A_184 = arith.constant 48 : index
      %swap3A_185 = tpu.vector_load %arg8[%swap3A_183, %swap3A_184] {strides = array<i32>} : memref<64x80xf32, #tpu.memory_space<vmem>>, vector<1x16xf32>,
      %swap3A_186 = vector.shape_cast %swap3A_185 : vector<1x16xf32> to vector<16xf32>
      %swap3A_187 = vector.shape_cast %scan3A_68#18 : vector<16xf32> to vector<1x16xf32>
      tpu.vector_store %arg8[%swap3A_183, %swap3A_184], %swap3A_187 {strides = array<i32>} : memref<64x80xf32, #tpu.memory_space<vmem>>, vector<1x16xf32>,
      %swap3A_188 = arith.index_cast %add3A_167 : i32 to index
      %swap3A_189 = arith.constant 64 : index
      %swap3A_190 = tpu.vector_load %arg8[%swap3A_188, %swap3A_189] {strides = array<i32>} : memref<64x80xf32, #tpu.memory_space<vmem>>, vector<1x16xf32>,
      %swap3A_191 = vector.shape_cast %swap3A_190 : vector<1x16xf32> to vector<16xf32>
      %swap3A_192 = vector.shape_cast %scan3A_68#19 : vector<16xf32> to vector<1x16xf32>
      tpu.vector_store %arg8[%swap3A_188, %swap3A_189], %swap3A_192 {strides = array<i32>} : memref<64x80xf32, #tpu.memory_space<vmem>>, vector<1x16xf32>,
    }
    %scan3A_20 = arith.constant 4 : i32
    %add3A_21 = arith.constant 32 : i32
    %add3A_22 = arith.addi %mul3A_2, %add3A_21 : i32
    %dma_start3A_23 = arith.constant 0 : i32
    %dma_start3A_24 = tpu.memref_slice %arg2[%add3A_22, %dma_start3A_23] : memref<2048x2048xf32, #tpu.memory_space<hbm>> -> memref<16x2048xf32, #tpu.memory_space<hbm>>
    %dma_start3A_25 = arith.constant 0 : i32
    %dma_start3A_26 = tpu.memref_slice %arg2[%add3A_22, %dma_start3A_25] : memref<2048x2048xf32, #tpu.memory_space<hbm>> -> memref<16x2048xf32, #tpu.memory_space<hbm>>
    tpu.enqueue_dma source(%dma_start3A_26 : memref<16x2048xf32, #tpu.memory_space<hbm>>) target(%arg6 : memref<16x2048xf32, #tpu.memory_space<vmem>>) target_semaphore(%arg9 : memref<!tpu.dma_semaphore, #tpu.memory_space<semaphore_mem>>)
    %dma_wait3A_27 = arith.constant 0 : i32
    %dma_wait3A_28 = tpu.memref_slice %arg2[%add3A_8, %dma_wait3A_27] : memref<2048x2048xf32, #tpu.memory_space<hbm>> -> memref<16x2048xf32, #tpu.memory_space<hbm>>
    %dma_wait3A_29 = arith.constant 0 : i32
    %dma_wait3A_30 = tpu.memref_slice %arg2[%add3A_8, %dma_wait3A_29] : memref<2048x2048xf32, #tpu.memory_space<hbm>> -> memref<16x2048xf32, #tpu.memory_space<hbm>>
    tpu.wait_dma2 semaphore(%arg10 : memref<!tpu.dma_semaphore, #tpu.memory_space<semaphore_mem>>) src(%dma_wait3A_30 : memref<16x2048xf32, #tpu.memory_space<hbm>>) dst(%arg7 : memref<16x2048xf32, #tpu.memory_space<vmem>>)
    %scan3A_31 = arith.constant 0 : i32
    %scan3A_32 = arith.constant 0 : i32
    %scan3A_33 = arith.constant 4 : i32
    %scan3A_34 = arith.addi %scan3A_32, %scan3A_33 : i32
    %scan3A_35 = arith.constant 1 : i32
    scf.for %scan3A_63 = %scan3A_32 to %scan3A_34 step %scan3A_35  : i32 {
      %scan3A_64 = arith.constant 0 : i32
      %scan3A_65 = arith.constant 128 : i32
      %scan3A_66 = arith.addi %scan3A_64, %scan3A_65 : i32
      %scan3A_67 = arith.constant 1 : i32
      %scan3A_68:20 = scf.for %scan3A_193 = %scan3A_64 to %scan3A_66 step %scan3A_67 iter_args(%scan3A_194 = %broadcast_in_dim3A_3, %scan3A_195 = %broadcast_in_dim3A_3, %scan3A_196 = %broadcast_in_dim3A_3, %scan3A_197 = %broadcast_in_dim3A_3, %scan3A_198 = %broadcast_in_dim3A_3, %scan3A_199 = %broadcast_in_dim3A_3, %scan3A_200 = %broadcast_in_dim3A_3, %scan3A_201 = %broadcast_in_dim3A_3, %scan3A_202 = %broadcast_in_dim3A_3, %scan3A_203 = %broadcast_in_dim3A_3, %scan3A_204 = %broadcast_in_dim3A_3, %scan3A_205 = %broadcast_in_dim3A_3, %scan3A_206 = %broadcast_in_dim3A_3, %scan3A_207 = %broadcast_in_dim3A_3, %scan3A_208 = %broadcast_in_dim3A_3, %scan3A_209 = %broadcast_in_dim3A_3, %scan3A_210 = %broadcast_in_dim3A_3, %scan3A_211 = %broadcast_in_dim3A_3, %scan3A_212 = %broadcast_in_dim3A_3, %scan3A_213 = %broadcast_in_dim3A_3) -> (vector<16xf32>, vector<16xf32>, vector<16xf32>, vector<16xf32>, vector<16xf32>, vector<16xf32>, vector<16xf32>, vector<16xf32>, vector<16xf32>, vector<16xf32>, vector<16xf32>, vector<16xf32>, vector<16xf32>, vector<16xf32>, vector<16xf32>, vector<16xf32>, vector<16xf32>, vector<16xf32>, vector<16xf32>, vector<16xf32>)  : i32 {
        %mul3A_214 = arith.constant 16 : i32
        %mul3A_215 = arith.muli %scan3A_193, %mul3A_214 : i32
        %get3A = arith.index_cast %mul3A_215 : i32 to index
        %get3A_216 = tpu.vector_load %arg5[%get3A] {strides = array<i32>} : memref<2048xf32, #tpu.memory_space<vmem>>, vector<16xf32>,
        %get3A_217 = vector.shape_cast %get3A_216 : vector<16xf32> to vector<16xf32>
        %mul3A_218 = arith.constant 4 : i32
        %mul3A_219 = arith.muli %mul3A_218, %scan3A_63 : i32
        %add3A_220 = arith.constant 0 : i32
        %add3A_221 = arith.addi %mul3A_219, %add3A_220 : i32
        %get3A_222 = arith.index_cast %add3A_221 : i32 to index
        %get3A_223 = arith.index_cast %mul3A_215 : i32 to index
        %get3A_224 = tpu.vector_load %arg7[%get3A_222, %get3A_223] {strides = array<i32>} : memref<16x2048xf32, #tpu.memory_space<vmem>>, vector<1x16xf32>,
        %get3A_225 = vector.shape_cast %get3A_224 : vector<1x16xf32> to vector<16xf32>
        %add3A_226 = arith.addf %get3A_225, %get3A_217 : vector<16xf32>
        %min3A = arith.minimumf %scan3A_198, %add3A_226 : vector<16xf32>
        %max3A = arith.maximumf %scan3A_198, %add3A_226 : vector<16xf32>
        %min3A_227 = arith.minimumf %scan3A_197, %max3A : vector<16xf32>
        %max3A_228 = arith.maximumf %scan3A_197, %max3A : vector<16xf32>
        %min3A_229 = arith.minimumf %scan3A_196, %max3A_228 : vector<16xf32>
        %max3A_230 = arith.maximumf %scan3A_196, %max3A_228 : vector<16xf32>
        %min3A_231 = arith.minimumf %scan3A_195, %max3A_230 : vector<16xf32>
        %max3A_232 = arith.maximumf %scan3A_195, %max3A_230 : vector<16xf32>
        %min3A_233 = arith.minimumf %scan3A_194, %max3A_232 : vector<16xf32>
        %max3A_234 = arith.maximumf %scan3A_194, %max3A_232 : vector<16xf32>
        %mul3A_235 = arith.constant 4 : i32
        %mul3A_236 = arith.muli %mul3A_235, %scan3A_63 : i32
        %add3A_237 = arith.constant 1 : i32
        %add3A_238 = arith.addi %mul3A_236, %add3A_237 : i32
        %get3A_239 = arith.index_cast %add3A_238 : i32 to index
        %get3A_240 = arith.index_cast %mul3A_215 : i32 to index
        %get3A_241 = tpu.vector_load %arg7[%get3A_239, %get3A_240] {strides = array<i32>} : memref<16x2048xf32, #tpu.memory_space<vmem>>, vector<1x16xf32>,
        %get3A_242 = vector.shape_cast %get3A_241 : vector<1x16xf32> to vector<16xf32>
        %add3A_243 = arith.addf %get3A_242, %get3A_217 : vector<16xf32>
        %min3A_244 = arith.minimumf %scan3A_203, %add3A_243 : vector<16xf32>
        %max3A_245 = arith.maximumf %scan3A_203, %add3A_243 : vector<16xf32>
        %min3A_246 = arith.minimumf %scan3A_202, %max3A_245 : vector<16xf32>
        %max3A_247 = arith.maximumf %scan3A_202, %max3A_245 : vector<16xf32>
        %min3A_248 = arith.minimumf %scan3A_201, %max3A_247 : vector<16xf32>
        %max3A_249 = arith.maximumf %scan3A_201, %max3A_247 : vector<16xf32>
        %min3A_250 = arith.minimumf %scan3A_200, %max3A_249 : vector<16xf32>
        %max3A_251 = arith.maximumf %scan3A_200, %max3A_249 : vector<16xf32>
        %min3A_252 = arith.minimumf %scan3A_199, %max3A_251 : vector<16xf32>
        %max3A_253 = arith.maximumf %scan3A_199, %max3A_251 : vector<16xf32>
        %mul3A_254 = arith.constant 4 : i32
        %mul3A_255 = arith.muli %mul3A_254, %scan3A_63 : i32
        %add3A_256 = arith.constant 2 : i32
        %add3A_257 = arith.addi %mul3A_255, %add3A_256 : i32
        %get3A_258 = arith.index_cast %add3A_257 : i32 to index
        %get3A_259 = arith.index_cast %mul3A_215 : i32 to index
        %get3A_260 = tpu.vector_load %arg7[%get3A_258, %get3A_259] {strides = array<i32>} : memref<16x2048xf32, #tpu.memory_space<vmem>>, vector<1x16xf32>,
        %get3A_261 = vector.shape_cast %get3A_260 : vector<1x16xf32> to vector<16xf32>
        %add3A_262 = arith.addf %get3A_261, %get3A_217 : vector<16xf32>
        %min3A_263 = arith.minimumf %scan3A_208, %add3A_262 : vector<16xf32>
        %max3A_264 = arith.maximumf %scan3A_208, %add3A_262 : vector<16xf32>
        %min3A_265 = arith.minimumf %scan3A_207, %max3A_264 : vector<16xf32>
        %max3A_266 = arith.maximumf %scan3A_207, %max3A_264 : vector<16xf32>
        %min3A_267 = arith.minimumf %scan3A_206, %max3A_266 : vector<16xf32>
        %max3A_268 = arith.maximumf %scan3A_206, %max3A_266 : vector<16xf32>
        %min3A_269 = arith.minimumf %scan3A_205, %max3A_268 : vector<16xf32>
        %max3A_270 = arith.maximumf %scan3A_205, %max3A_268 : vector<16xf32>
        %min3A_271 = arith.minimumf %scan3A_204, %max3A_270 : vector<16xf32>
        %max3A_272 = arith.maximumf %scan3A_204, %max3A_270 : vector<16xf32>
        %mul3A_273 = arith.constant 4 : i32
        %mul3A_274 = arith.muli %mul3A_273, %scan3A_63 : i32
        %add3A_275 = arith.constant 3 : i32
        %add3A_276 = arith.addi %mul3A_274, %add3A_275 : i32
        %get3A_277 = arith.index_cast %add3A_276 : i32 to index
        %get3A_278 = arith.index_cast %mul3A_215 : i32 to index
        %get3A_279 = tpu.vector_load %arg7[%get3A_277, %get3A_278] {strides = array<i32>} : memref<16x2048xf32, #tpu.memory_space<vmem>>, vector<1x16xf32>,
        %get3A_280 = vector.shape_cast %get3A_279 : vector<1x16xf32> to vector<16xf32>
        %add3A_281 = arith.addf %get3A_280, %get3A_217 : vector<16xf32>
        %min3A_282 = arith.minimumf %scan3A_213, %add3A_281 : vector<16xf32>
        %max3A_283 = arith.maximumf %scan3A_213, %add3A_281 : vector<16xf32>
        %min3A_284 = arith.minimumf %scan3A_212, %max3A_283 : vector<16xf32>
        %max3A_285 = arith.maximumf %scan3A_212, %max3A_283 : vector<16xf32>
        %min3A_286 = arith.minimumf %scan3A_211, %max3A_285 : vector<16xf32>
        %max3A_287 = arith.maximumf %scan3A_211, %max3A_285 : vector<16xf32>
        %min3A_288 = arith.minimumf %scan3A_210, %max3A_287 : vector<16xf32>
        %max3A_289 = arith.maximumf %scan3A_210, %max3A_287 : vector<16xf32>
        %min3A_290 = arith.minimumf %scan3A_209, %max3A_289 : vector<16xf32>
        %max3A_291 = arith.maximumf %scan3A_209, %max3A_289 : vector<16xf32>
        scf.yield %min3A_233, %min3A_231, %min3A_229, %min3A_227, %min3A, %min3A_252, %min3A_250, %min3A_248, %min3A_246, %min3A_244, %min3A_271, %min3A_269, %min3A_267, %min3A_265, %min3A_263, %min3A_290, %min3A_288, %min3A_286, %min3A_284, %min3A_282 : vector<16xf32>, vector<16xf32>, vector<16xf32>, vector<16xf32>, vector<16xf32>, vector<16xf32>, vector<16xf32>, vector<16xf32>, vector<16xf32>, vector<16xf32>, vector<16xf32>, vector<16xf32>, vector<16xf32>, vector<16xf32>, vector<16xf32>, vector<16xf32>, vector<16xf32>, vector<16xf32>, vector<16xf32>, vector<16xf32>
      }
      %scan3A_69 = arith.constant 128 : i32
      %mul3A_70 = arith.constant 4 : i32
      %mul3A_71 = arith.muli %mul3A_70, %scan3A_63 : i32
      %add3A_72 = arith.constant 16 : i32
      %add3A_73 = arith.addi %add3A_72, %mul3A_71 : i32
      %add3A_74 = arith.constant 0 : i32
      %add3A_75 = arith.addi %add3A_73, %add3A_74 : i32
      %swap3A = arith.index_cast %add3A_75 : i32 to index
      %swap3A_76 = arith.constant 0 : index
      %swap3A_77 = tpu.vector_load %arg8[%swap3A, %swap3A_76] {strides = array<i32>} : memref<64x80xf32, #tpu.memory_space<vmem>>, vector<1x16xf32>,
      %swap3A_78 = vector.shape_cast %swap3A_77 : vector<1x16xf32> to vector<16xf32>
      %swap3A_79 = vector.shape_cast %scan3A_68#0 : vector<16xf32> to vector<1x16xf32>
      tpu.vector_store %arg8[%swap3A, %swap3A_76], %swap3A_79 {strides = array<i32>} : memref<64x80xf32, #tpu.memory_space<vmem>>, vector<1x16xf32>,
      %swap3A_80 = arith.index_cast %add3A_75 : i32 to index
      %swap3A_81 = arith.constant 16 : index
      %swap3A_82 = tpu.vector_load %arg8[%swap3A_80, %swap3A_81] {strides = array<i32>} : memref<64x80xf32, #tpu.memory_space<vmem>>, vector<1x16xf32>,
      %swap3A_83 = vector.shape_cast %swap3A_82 : vector<1x16xf32> to vector<16xf32>
      %swap3A_84 = vector.shape_cast %scan3A_68#1 : vector<16xf32> to vector<1x16xf32>
      tpu.vector_store %arg8[%swap3A_80, %swap3A_81], %swap3A_84 {strides = array<i32>} : memref<64x80xf32, #tpu.memory_space<vmem>>, vector<1x16xf32>,
      %swap3A_85 = arith.index_cast %add3A_75 : i32 to index
      %swap3A_86 = arith.constant 32 : index
      %swap3A_87 = tpu.vector_load %arg8[%swap3A_85, %swap3A_86] {strides = array<i32>} : memref<64x80xf32, #tpu.memory_space<vmem>>, vector<1x16xf32>,
      %swap3A_88 = vector.shape_cast %swap3A_87 : vector<1x16xf32> to vector<16xf32>
      %swap3A_89 = vector.shape_cast %scan3A_68#2 : vector<16xf32> to vector<1x16xf32>
      tpu.vector_store %arg8[%swap3A_85, %swap3A_86], %swap3A_89 {strides = array<i32>} : memref<64x80xf32, #tpu.memory_space<vmem>>, vector<1x16xf32>,
      %swap3A_90 = arith.index_cast %add3A_75 : i32 to index
      %swap3A_91 = arith.constant 48 : index
      %swap3A_92 = tpu.vector_load %arg8[%swap3A_90, %swap3A_91] {strides = array<i32>} : memref<64x80xf32, #tpu.memory_space<vmem>>, vector<1x16xf32>,
      %swap3A_93 = vector.shape_cast %swap3A_92 : vector<1x16xf32> to vector<16xf32>
      %swap3A_94 = vector.shape_cast %scan3A_68#3 : vector<16xf32> to vector<1x16xf32>
      tpu.vector_store %arg8[%swap3A_90, %swap3A_91], %swap3A_94 {strides = array<i32>} : memref<64x80xf32, #tpu.memory_space<vmem>>, vector<1x16xf32>,
      %swap3A_95 = arith.index_cast %add3A_75 : i32 to index
      %swap3A_96 = arith.constant 64 : index
      %swap3A_97 = tpu.vector_load %arg8[%swap3A_95, %swap3A_96] {strides = array<i32>} : memref<64x80xf32, #tpu.memory_space<vmem>>, vector<1x16xf32>,
      %swap3A_98 = vector.shape_cast %swap3A_97 : vector<1x16xf32> to vector<16xf32>
      %swap3A_99 = vector.shape_cast %scan3A_68#4 : vector<16xf32> to vector<1x16xf32>
      tpu.vector_store %arg8[%swap3A_95, %swap3A_96], %swap3A_99 {strides = array<i32>} : memref<64x80xf32, #tpu.memory_space<vmem>>, vector<1x16xf32>,
      %mul3A_100 = arith.constant 4 : i32
      %mul3A_101 = arith.muli %mul3A_100, %scan3A_63 : i32
      %add3A_102 = arith.constant 16 : i32
      %add3A_103 = arith.addi %add3A_102, %mul3A_101 : i32
      %add3A_104 = arith.constant 1 : i32
      %add3A_105 = arith.addi %add3A_103, %add3A_104 : i32
      %swap3A_106 = arith.index_cast %add3A_105 : i32 to index
      %swap3A_107 = arith.constant 0 : index
      %swap3A_108 = tpu.vector_load %arg8[%swap3A_106, %swap3A_107] {strides = array<i32>} : memref<64x80xf32, #tpu.memory_space<vmem>>, vector<1x16xf32>,
      %swap3A_109 = vector.shape_cast %swap3A_108 : vector<1x16xf32> to vector<16xf32>
      %swap3A_110 = vector.shape_cast %scan3A_68#5 : vector<16xf32> to vector<1x16xf32>
      tpu.vector_store %arg8[%swap3A_106, %swap3A_107], %swap3A_110 {strides = array<i32>} : memref<64x80xf32, #tpu.memory_space<vmem>>, vector<1x16xf32>,
      %swap3A_111 = arith.index_cast %add3A_105 : i32 to index
      %swap3A_112 = arith.constant 16 : index
      %swap3A_113 = tpu.vector_load %arg8[%swap3A_111, %swap3A_112] {strides = array<i32>} : memref<64x80xf32, #tpu.memory_space<vmem>>, vector<1x16xf32>,
      %swap3A_114 = vector.shape_cast %swap3A_113 : vector<1x16xf32> to vector<16xf32>
      %swap3A_115 = vector.shape_cast %scan3A_68#6 : vector<16xf32> to vector<1x16xf32>
      tpu.vector_store %arg8[%swap3A_111, %swap3A_112], %swap3A_115 {strides = array<i32>} : memref<64x80xf32, #tpu.memory_space<vmem>>, vector<1x16xf32>,
      %swap3A_116 = arith.index_cast %add3A_105 : i32 to index
      %swap3A_117 = arith.constant 32 : index
      %swap3A_118 = tpu.vector_load %arg8[%swap3A_116, %swap3A_117] {strides = array<i32>} : memref<64x80xf32, #tpu.memory_space<vmem>>, vector<1x16xf32>,
      %swap3A_119 = vector.shape_cast %swap3A_118 : vector<1x16xf32> to vector<16xf32>
      %swap3A_120 = vector.shape_cast %scan3A_68#7 : vector<16xf32> to vector<1x16xf32>
      tpu.vector_store %arg8[%swap3A_116, %swap3A_117], %swap3A_120 {strides = array<i32>} : memref<64x80xf32, #tpu.memory_space<vmem>>, vector<1x16xf32>,
      %swap3A_121 = arith.index_cast %add3A_105 : i32 to index
      %swap3A_122 = arith.constant 48 : index
      %swap3A_123 = tpu.vector_load %arg8[%swap3A_121, %swap3A_122] {strides = array<i32>} : memref<64x80xf32, #tpu.memory_space<vmem>>, vector<1x16xf32>,
      %swap3A_124 = vector.shape_cast %swap3A_123 : vector<1x16xf32> to vector<16xf32>
      %swap3A_125 = vector.shape_cast %scan3A_68#8 : vector<16xf32> to vector<1x16xf32>
      tpu.vector_store %arg8[%swap3A_121, %swap3A_122], %swap3A_125 {strides = array<i32>} : memref<64x80xf32, #tpu.memory_space<vmem>>, vector<1x16xf32>,
      %swap3A_126 = arith.index_cast %add3A_105 : i32 to index
      %swap3A_127 = arith.constant 64 : index
      %swap3A_128 = tpu.vector_load %arg8[%swap3A_126, %swap3A_127] {strides = array<i32>} : memref<64x80xf32, #tpu.memory_space<vmem>>, vector<1x16xf32>,
      %swap3A_129 = vector.shape_cast %swap3A_128 : vector<1x16xf32> to vector<16xf32>
      %swap3A_130 = vector.shape_cast %scan3A_68#9 : vector<16xf32> to vector<1x16xf32>
      tpu.vector_store %arg8[%swap3A_126, %swap3A_127], %swap3A_130 {strides = array<i32>} : memref<64x80xf32, #tpu.memory_space<vmem>>, vector<1x16xf32>,
      %mul3A_131 = arith.constant 4 : i32
      %mul3A_132 = arith.muli %mul3A_131, %scan3A_63 : i32
      %add3A_133 = arith.constant 16 : i32
      %add3A_134 = arith.addi %add3A_133, %mul3A_132 : i32
      %add3A_135 = arith.constant 2 : i32
      %add3A_136 = arith.addi %add3A_134, %add3A_135 : i32
      %swap3A_137 = arith.index_cast %add3A_136 : i32 to index
      %swap3A_138 = arith.constant 0 : index
      %swap3A_139 = tpu.vector_load %arg8[%swap3A_137, %swap3A_138] {strides = array<i32>} : memref<64x80xf32, #tpu.memory_space<vmem>>, vector<1x16xf32>,
      %swap3A_140 = vector.shape_cast %swap3A_139 : vector<1x16xf32> to vector<16xf32>
      %swap3A_141 = vector.shape_cast %scan3A_68#10 : vector<16xf32> to vector<1x16xf32>
      tpu.vector_store %arg8[%swap3A_137, %swap3A_138], %swap3A_141 {strides = array<i32>} : memref<64x80xf32, #tpu.memory_space<vmem>>, vector<1x16xf32>,
      %swap3A_142 = arith.index_cast %add3A_136 : i32 to index
      %swap3A_143 = arith.constant 16 : index
      %swap3A_144 = tpu.vector_load %arg8[%swap3A_142, %swap3A_143] {strides = array<i32>} : memref<64x80xf32, #tpu.memory_space<vmem>>, vector<1x16xf32>,
      %swap3A_145 = vector.shape_cast %swap3A_144 : vector<1x16xf32> to vector<16xf32>
      %swap3A_146 = vector.shape_cast %scan3A_68#11 : vector<16xf32> to vector<1x16xf32>
      tpu.vector_store %arg8[%swap3A_142, %swap3A_143], %swap3A_146 {strides = array<i32>} : memref<64x80xf32, #tpu.memory_space<vmem>>, vector<1x16xf32>,
      %swap3A_147 = arith.index_cast %add3A_136 : i32 to index
      %swap3A_148 = arith.constant 32 : index
      %swap3A_149 = tpu.vector_load %arg8[%swap3A_147, %swap3A_148] {strides = array<i32>} : memref<64x80xf32, #tpu.memory_space<vmem>>, vector<1x16xf32>,
      %swap3A_150 = vector.shape_cast %swap3A_149 : vector<1x16xf32> to vector<16xf32>
      %swap3A_151 = vector.shape_cast %scan3A_68#12 : vector<16xf32> to vector<1x16xf32>
      tpu.vector_store %arg8[%swap3A_147, %swap3A_148], %swap3A_151 {strides = array<i32>} : memref<64x80xf32, #tpu.memory_space<vmem>>, vector<1x16xf32>,
      %swap3A_152 = arith.index_cast %add3A_136 : i32 to index
      %swap3A_153 = arith.constant 48 : index
      %swap3A_154 = tpu.vector_load %arg8[%swap3A_152, %swap3A_153] {strides = array<i32>} : memref<64x80xf32, #tpu.memory_space<vmem>>, vector<1x16xf32>,
      %swap3A_155 = vector.shape_cast %swap3A_154 : vector<1x16xf32> to vector<16xf32>
      %swap3A_156 = vector.shape_cast %scan3A_68#13 : vector<16xf32> to vector<1x16xf32>
      tpu.vector_store %arg8[%swap3A_152, %swap3A_153], %swap3A_156 {strides = array<i32>} : memref<64x80xf32, #tpu.memory_space<vmem>>, vector<1x16xf32>,
      %swap3A_157 = arith.index_cast %add3A_136 : i32 to index
      %swap3A_158 = arith.constant 64 : index
      %swap3A_159 = tpu.vector_load %arg8[%swap3A_157, %swap3A_158] {strides = array<i32>} : memref<64x80xf32, #tpu.memory_space<vmem>>, vector<1x16xf32>,
      %swap3A_160 = vector.shape_cast %swap3A_159 : vector<1x16xf32> to vector<16xf32>
      %swap3A_161 = vector.shape_cast %scan3A_68#14 : vector<16xf32> to vector<1x16xf32>
      tpu.vector_store %arg8[%swap3A_157, %swap3A_158], %swap3A_161 {strides = array<i32>} : memref<64x80xf32, #tpu.memory_space<vmem>>, vector<1x16xf32>,
      %mul3A_162 = arith.constant 4 : i32
      %mul3A_163 = arith.muli %mul3A_162, %scan3A_63 : i32
      %add3A_164 = arith.constant 16 : i32
      %add3A_165 = arith.addi %add3A_164, %mul3A_163 : i32
      %add3A_166 = arith.constant 3 : i32
      %add3A_167 = arith.addi %add3A_165, %add3A_166 : i32
      %swap3A_168 = arith.index_cast %add3A_167 : i32 to index
      %swap3A_169 = arith.constant 0 : index
      %swap3A_170 = tpu.vector_load %arg8[%swap3A_168, %swap3A_169] {strides = array<i32>} : memref<64x80xf32, #tpu.memory_space<vmem>>, vector<1x16xf32>,
      %swap3A_171 = vector.shape_cast %swap3A_170 : vector<1x16xf32> to vector<16xf32>
      %swap3A_172 = vector.shape_cast %scan3A_68#15 : vector<16xf32> to vector<1x16xf32>
      tpu.vector_store %arg8[%swap3A_168, %swap3A_169], %swap3A_172 {strides = array<i32>} : memref<64x80xf32, #tpu.memory_space<vmem>>, vector<1x16xf32>,
      %swap3A_173 = arith.index_cast %add3A_167 : i32 to index
      %swap3A_174 = arith.constant 16 : index
      %swap3A_175 = tpu.vector_load %arg8[%swap3A_173, %swap3A_174] {strides = array<i32>} : memref<64x80xf32, #tpu.memory_space<vmem>>, vector<1x16xf32>,
      %swap3A_176 = vector.shape_cast %swap3A_175 : vector<1x16xf32> to vector<16xf32>
      %swap3A_177 = vector.shape_cast %scan3A_68#16 : vector<16xf32> to vector<1x16xf32>
      tpu.vector_store %arg8[%swap3A_173, %swap3A_174], %swap3A_177 {strides = array<i32>} : memref<64x80xf32, #tpu.memory_space<vmem>>, vector<1x16xf32>,
      %swap3A_178 = arith.index_cast %add3A_167 : i32 to index
      %swap3A_179 = arith.constant 32 : index
      %swap3A_180 = tpu.vector_load %arg8[%swap3A_178, %swap3A_179] {strides = array<i32>} : memref<64x80xf32, #tpu.memory_space<vmem>>, vector<1x16xf32>,
      %swap3A_181 = vector.shape_cast %swap3A_180 : vector<1x16xf32> to vector<16xf32>
      %swap3A_182 = vector.shape_cast %scan3A_68#17 : vector<16xf32> to vector<1x16xf32>
      tpu.vector_store %arg8[%swap3A_178, %swap3A_179], %swap3A_182 {strides = array<i32>} : memref<64x80xf32, #tpu.memory_space<vmem>>, vector<1x16xf32>,
      %swap3A_183 = arith.index_cast %add3A_167 : i32 to index
      %swap3A_184 = arith.constant 48 : index
      %swap3A_185 = tpu.vector_load %arg8[%swap3A_183, %swap3A_184] {strides = array<i32>} : memref<64x80xf32, #tpu.memory_space<vmem>>, vector<1x16xf32>,
      %swap3A_186 = vector.shape_cast %swap3A_185 : vector<1x16xf32> to vector<16xf32>
      %swap3A_187 = vector.shape_cast %scan3A_68#18 : vector<16xf32> to vector<1x16xf32>
      tpu.vector_store %arg8[%swap3A_183, %swap3A_184], %swap3A_187 {strides = array<i32>} : memref<64x80xf32, #tpu.memory_space<vmem>>, vector<1x16xf32>,
      %swap3A_188 = arith.index_cast %add3A_167 : i32 to index
      %swap3A_189 = arith.constant 64 : index
      %swap3A_190 = tpu.vector_load %arg8[%swap3A_188, %swap3A_189] {strides = array<i32>} : memref<64x80xf32, #tpu.memory_space<vmem>>, vector<1x16xf32>,
      %swap3A_191 = vector.shape_cast %swap3A_190 : vector<1x16xf32> to vector<16xf32>
      %swap3A_192 = vector.shape_cast %scan3A_68#19 : vector<16xf32> to vector<1x16xf32>
      tpu.vector_store %arg8[%swap3A_188, %swap3A_189], %swap3A_192 {strides = array<i32>} : memref<64x80xf32, #tpu.memory_space<vmem>>, vector<1x16xf32>,
    }
    %scan3A_36 = arith.constant 4 : i32
    %add3A_37 = arith.constant 48 : i32
    %add3A_38 = arith.addi %mul3A_2, %add3A_37 : i32
    %dma_start3A_39 = arith.constant 0 : i32
    %dma_start3A_40 = tpu.memref_slice %arg2[%add3A_38, %dma_start3A_39] : memref<2048x2048xf32, #tpu.memory_space<hbm>> -> memref<16x2048xf32, #tpu.memory_space<hbm>>
    %dma_start3A_41 = arith.constant 0 : i32
    %dma_start3A_42 = tpu.memref_slice %arg2[%add3A_38, %dma_start3A_41] : memref<2048x2048xf32, #tpu.memory_space<hbm>> -> memref<16x2048xf32, #tpu.memory_space<hbm>>
    tpu.enqueue_dma source(%dma_start3A_42 : memref<16x2048xf32, #tpu.memory_space<hbm>>) target(%arg7 : memref<16x2048xf32, #tpu.memory_space<vmem>>) target_semaphore(%arg10 : memref<!tpu.dma_semaphore, #tpu.memory_space<semaphore_mem>>)
    %dma_wait3A_43 = arith.constant 0 : i32
    %dma_wait3A_44 = tpu.memref_slice %arg2[%add3A_22, %dma_wait3A_43] : memref<2048x2048xf32, #tpu.memory_space<hbm>> -> memref<16x2048xf32, #tpu.memory_space<hbm>>
    %dma_wait3A_45 = arith.constant 0 : i32
    %dma_wait3A_46 = tpu.memref_slice %arg2[%add3A_22, %dma_wait3A_45] : memref<2048x2048xf32, #tpu.memory_space<hbm>> -> memref<16x2048xf32, #tpu.memory_space<hbm>>
    tpu.wait_dma2 semaphore(%arg9 : memref<!tpu.dma_semaphore, #tpu.memory_space<semaphore_mem>>) src(%dma_wait3A_46 : memref<16x2048xf32, #tpu.memory_space<hbm>>) dst(%arg6 : memref<16x2048xf32, #tpu.memory_space<vmem>>)
    %scan3A_47 = arith.constant 0 : i32
    %scan3A_48 = arith.constant 0 : i32
    %scan3A_49 = arith.constant 4 : i32
    %scan3A_50 = arith.addi %scan3A_48, %scan3A_49 : i32
    %scan3A_51 = arith.constant 1 : i32
    scf.for %scan3A_63 = %scan3A_48 to %scan3A_50 step %scan3A_51  : i32 {
      %scan3A_64 = arith.constant 0 : i32
      %scan3A_65 = arith.constant 128 : i32
      %scan3A_66 = arith.addi %scan3A_64, %scan3A_65 : i32
      %scan3A_67 = arith.constant 1 : i32
      %scan3A_68:20 = scf.for %scan3A_193 = %scan3A_64 to %scan3A_66 step %scan3A_67 iter_args(%scan3A_194 = %broadcast_in_dim3A_3, %scan3A_195 = %broadcast_in_dim3A_3, %scan3A_196 = %broadcast_in_dim3A_3, %scan3A_197 = %broadcast_in_dim3A_3, %scan3A_198 = %broadcast_in_dim3A_3, %scan3A_199 = %broadcast_in_dim3A_3, %scan3A_200 = %broadcast_in_dim3A_3, %scan3A_201 = %broadcast_in_dim3A_3, %scan3A_202 = %broadcast_in_dim3A_3, %scan3A_203 = %broadcast_in_dim3A_3, %scan3A_204 = %broadcast_in_dim3A_3, %scan3A_205 = %broadcast_in_dim3A_3, %scan3A_206 = %broadcast_in_dim3A_3, %scan3A_207 = %broadcast_in_dim3A_3, %scan3A_208 = %broadcast_in_dim3A_3, %scan3A_209 = %broadcast_in_dim3A_3, %scan3A_210 = %broadcast_in_dim3A_3, %scan3A_211 = %broadcast_in_dim3A_3, %scan3A_212 = %broadcast_in_dim3A_3, %scan3A_213 = %broadcast_in_dim3A_3) -> (vector<16xf32>, vector<16xf32>, vector<16xf32>, vector<16xf32>, vector<16xf32>, vector<16xf32>, vector<16xf32>, vector<16xf32>, vector<16xf32>, vector<16xf32>, vector<16xf32>, vector<16xf32>, vector<16xf32>, vector<16xf32>, vector<16xf32>, vector<16xf32>, vector<16xf32>, vector<16xf32>, vector<16xf32>, vector<16xf32>)  : i32 {
        %mul3A_214 = arith.constant 16 : i32
        %mul3A_215 = arith.muli %scan3A_193, %mul3A_214 : i32
        %get3A = arith.index_cast %mul3A_215 : i32 to index
        %get3A_216 = tpu.vector_load %arg5[%get3A] {strides = array<i32>} : memref<2048xf32, #tpu.memory_space<vmem>>, vector<16xf32>,
        %get3A_217 = vector.shape_cast %get3A_216 : vector<16xf32> to vector<16xf32>
        %mul3A_218 = arith.constant 4 : i32
        %mul3A_219 = arith.muli %mul3A_218, %scan3A_63 : i32
        %add3A_220 = arith.constant 0 : i32
        %add3A_221 = arith.addi %mul3A_219, %add3A_220 : i32
        %get3A_222 = arith.index_cast %add3A_221 : i32 to index
        %get3A_223 = arith.index_cast %mul3A_215 : i32 to index
        %get3A_224 = tpu.vector_load %arg6[%get3A_222, %get3A_223] {strides = array<i32>} : memref<16x2048xf32, #tpu.memory_space<vmem>>, vector<1x16xf32>,
        %get3A_225 = vector.shape_cast %get3A_224 : vector<1x16xf32> to vector<16xf32>
        %add3A_226 = arith.addf %get3A_225, %get3A_217 : vector<16xf32>
        %min3A = arith.minimumf %scan3A_198, %add3A_226 : vector<16xf32>
        %max3A = arith.maximumf %scan3A_198, %add3A_226 : vector<16xf32>
        %min3A_227 = arith.minimumf %scan3A_197, %max3A : vector<16xf32>
        %max3A_228 = arith.maximumf %scan3A_197, %max3A : vector<16xf32>
        %min3A_229 = arith.minimumf %scan3A_196, %max3A_228 : vector<16xf32>
        %max3A_230 = arith.maximumf %scan3A_196, %max3A_228 : vector<16xf32>
        %min3A_231 = arith.minimumf %scan3A_195, %max3A_230 : vector<16xf32>
        %max3A_232 = arith.maximumf %scan3A_195, %max3A_230 : vector<16xf32>
        %min3A_233 = arith.minimumf %scan3A_194, %max3A_232 : vector<16xf32>
        %max3A_234 = arith.maximumf %scan3A_194, %max3A_232 : vector<16xf32>
        %mul3A_235 = arith.constant 4 : i32
        %mul3A_236 = arith.muli %mul3A_235, %scan3A_63 : i32
        %add3A_237 = arith.constant 1 : i32
        %add3A_238 = arith.addi %mul3A_236, %add3A_237 : i32
        %get3A_239 = arith.index_cast %add3A_238 : i32 to index
        %get3A_240 = arith.index_cast %mul3A_215 : i32 to index
        %get3A_241 = tpu.vector_load %arg6[%get3A_239, %get3A_240] {strides = array<i32>} : memref<16x2048xf32, #tpu.memory_space<vmem>>, vector<1x16xf32>,
        %get3A_242 = vector.shape_cast %get3A_241 : vector<1x16xf32> to vector<16xf32>
        %add3A_243 = arith.addf %get3A_242, %get3A_217 : vector<16xf32>
        %min3A_244 = arith.minimumf %scan3A_203, %add3A_243 : vector<16xf32>
        %max3A_245 = arith.maximumf %scan3A_203, %add3A_243 : vector<16xf32>
        %min3A_246 = arith.minimumf %scan3A_202, %max3A_245 : vector<16xf32>
        %max3A_247 = arith.maximumf %scan3A_202, %max3A_245 : vector<16xf32>
        %min3A_248 = arith.minimumf %scan3A_201, %max3A_247 : vector<16xf32>
        %max3A_249 = arith.maximumf %scan3A_201, %max3A_247 : vector<16xf32>
        %min3A_250 = arith.minimumf %scan3A_200, %max3A_249 : vector<16xf32>
        %max3A_251 = arith.maximumf %scan3A_200, %max3A_249 : vector<16xf32>
        %min3A_252 = arith.minimumf %scan3A_199, %max3A_251 : vector<16xf32>
        %max3A_253 = arith.maximumf %scan3A_199, %max3A_251 : vector<16xf32>
        %mul3A_254 = arith.constant 4 : i32
        %mul3A_255 = arith.muli %mul3A_254, %scan3A_63 : i32
        %add3A_256 = arith.constant 2 : i32
        %add3A_257 = arith.addi %mul3A_255, %add3A_256 : i32
        %get3A_258 = arith.index_cast %add3A_257 : i32 to index
        %get3A_259 = arith.index_cast %mul3A_215 : i32 to index
        %get3A_260 = tpu.vector_load %arg6[%get3A_258, %get3A_259] {strides = array<i32>} : memref<16x2048xf32, #tpu.memory_space<vmem>>, vector<1x16xf32>,
        %get3A_261 = vector.shape_cast %get3A_260 : vector<1x16xf32> to vector<16xf32>
        %add3A_262 = arith.addf %get3A_261, %get3A_217 : vector<16xf32>
        %min3A_263 = arith.minimumf %scan3A_208, %add3A_262 : vector<16xf32>
        %max3A_264 = arith.maximumf %scan3A_208, %add3A_262 : vector<16xf32>
        %min3A_265 = arith.minimumf %scan3A_207, %max3A_264 : vector<16xf32>
        %max3A_266 = arith.maximumf %scan3A_207, %max3A_264 : vector<16xf32>
        %min3A_267 = arith.minimumf %scan3A_206, %max3A_266 : vector<16xf32>
        %max3A_268 = arith.maximumf %scan3A_206, %max3A_266 : vector<16xf32>
        %min3A_269 = arith.minimumf %scan3A_205, %max3A_268 : vector<16xf32>
        %max3A_270 = arith.maximumf %scan3A_205, %max3A_268 : vector<16xf32>
        %min3A_271 = arith.minimumf %scan3A_204, %max3A_270 : vector<16xf32>
        %max3A_272 = arith.maximumf %scan3A_204, %max3A_270 : vector<16xf32>
        %mul3A_273 = arith.constant 4 : i32
        %mul3A_274 = arith.muli %mul3A_273, %scan3A_63 : i32
        %add3A_275 = arith.constant 3 : i32
        %add3A_276 = arith.addi %mul3A_274, %add3A_275 : i32
        %get3A_277 = arith.index_cast %add3A_276 : i32 to index
        %get3A_278 = arith.index_cast %mul3A_215 : i32 to index
        %get3A_279 = tpu.vector_load %arg6[%get3A_277, %get3A_278] {strides = array<i32>} : memref<16x2048xf32, #tpu.memory_space<vmem>>, vector<1x16xf32>,
        %get3A_280 = vector.shape_cast %get3A_279 : vector<1x16xf32> to vector<16xf32>
        %add3A_281 = arith.addf %get3A_280, %get3A_217 : vector<16xf32>
        %min3A_282 = arith.minimumf %scan3A_213, %add3A_281 : vector<16xf32>
        %max3A_283 = arith.maximumf %scan3A_213, %add3A_281 : vector<16xf32>
        %min3A_284 = arith.minimumf %scan3A_212, %max3A_283 : vector<16xf32>
        %max3A_285 = arith.maximumf %scan3A_212, %max3A_283 : vector<16xf32>
        %min3A_286 = arith.minimumf %scan3A_211, %max3A_285 : vector<16xf32>
        %max3A_287 = arith.maximumf %scan3A_211, %max3A_285 : vector<16xf32>
        %min3A_288 = arith.minimumf %scan3A_210, %max3A_287 : vector<16xf32>
        %max3A_289 = arith.maximumf %scan3A_210, %max3A_287 : vector<16xf32>
        %min3A_290 = arith.minimumf %scan3A_209, %max3A_289 : vector<16xf32>
        %max3A_291 = arith.maximumf %scan3A_209, %max3A_289 : vector<16xf32>
        scf.yield %min3A_233, %min3A_231, %min3A_229, %min3A_227, %min3A, %min3A_252, %min3A_250, %min3A_248, %min3A_246, %min3A_244, %min3A_271, %min3A_269, %min3A_267, %min3A_265, %min3A_263, %min3A_290, %min3A_288, %min3A_286, %min3A_284, %min3A_282 : vector<16xf32>, vector<16xf32>, vector<16xf32>, vector<16xf32>, vector<16xf32>, vector<16xf32>, vector<16xf32>, vector<16xf32>, vector<16xf32>, vector<16xf32>, vector<16xf32>, vector<16xf32>, vector<16xf32>, vector<16xf32>, vector<16xf32>, vector<16xf32>, vector<16xf32>, vector<16xf32>, vector<16xf32>, vector<16xf32>
      }
      %scan3A_69 = arith.constant 128 : i32
      %mul3A_70 = arith.constant 4 : i32
      %mul3A_71 = arith.muli %mul3A_70, %scan3A_63 : i32
      %add3A_72 = arith.constant 32 : i32
      %add3A_73 = arith.addi %add3A_72, %mul3A_71 : i32
      %add3A_74 = arith.constant 0 : i32
      %add3A_75 = arith.addi %add3A_73, %add3A_74 : i32
      %swap3A = arith.index_cast %add3A_75 : i32 to index
      %swap3A_76 = arith.constant 0 : index
      %swap3A_77 = tpu.vector_load %arg8[%swap3A, %swap3A_76] {strides = array<i32>} : memref<64x80xf32, #tpu.memory_space<vmem>>, vector<1x16xf32>,
      %swap3A_78 = vector.shape_cast %swap3A_77 : vector<1x16xf32> to vector<16xf32>
      %swap3A_79 = vector.shape_cast %scan3A_68#0 : vector<16xf32> to vector<1x16xf32>
      tpu.vector_store %arg8[%swap3A, %swap3A_76], %swap3A_79 {strides = array<i32>} : memref<64x80xf32, #tpu.memory_space<vmem>>, vector<1x16xf32>,
      %swap3A_80 = arith.index_cast %add3A_75 : i32 to index
      %swap3A_81 = arith.constant 16 : index
      %swap3A_82 = tpu.vector_load %arg8[%swap3A_80, %swap3A_81] {strides = array<i32>} : memref<64x80xf32, #tpu.memory_space<vmem>>, vector<1x16xf32>,
      %swap3A_83 = vector.shape_cast %swap3A_82 : vector<1x16xf32> to vector<16xf32>
      %swap3A_84 = vector.shape_cast %scan3A_68#1 : vector<16xf32> to vector<1x16xf32>
      tpu.vector_store %arg8[%swap3A_80, %swap3A_81], %swap3A_84 {strides = array<i32>} : memref<64x80xf32, #tpu.memory_space<vmem>>, vector<1x16xf32>,
      %swap3A_85 = arith.index_cast %add3A_75 : i32 to index
      %swap3A_86 = arith.constant 32 : index
      %swap3A_87 = tpu.vector_load %arg8[%swap3A_85, %swap3A_86] {strides = array<i32>} : memref<64x80xf32, #tpu.memory_space<vmem>>, vector<1x16xf32>,
      %swap3A_88 = vector.shape_cast %swap3A_87 : vector<1x16xf32> to vector<16xf32>
      %swap3A_89 = vector.shape_cast %scan3A_68#2 : vector<16xf32> to vector<1x16xf32>
      tpu.vector_store %arg8[%swap3A_85, %swap3A_86], %swap3A_89 {strides = array<i32>} : memref<64x80xf32, #tpu.memory_space<vmem>>, vector<1x16xf32>,
      %swap3A_90 = arith.index_cast %add3A_75 : i32 to index
      %swap3A_91 = arith.constant 48 : index
      %swap3A_92 = tpu.vector_load %arg8[%swap3A_90, %swap3A_91] {strides = array<i32>} : memref<64x80xf32, #tpu.memory_space<vmem>>, vector<1x16xf32>,
      %swap3A_93 = vector.shape_cast %swap3A_92 : vector<1x16xf32> to vector<16xf32>
      %swap3A_94 = vector.shape_cast %scan3A_68#3 : vector<16xf32> to vector<1x16xf32>
      tpu.vector_store %arg8[%swap3A_90, %swap3A_91], %swap3A_94 {strides = array<i32>} : memref<64x80xf32, #tpu.memory_space<vmem>>, vector<1x16xf32>,
      %swap3A_95 = arith.index_cast %add3A_75 : i32 to index
      %swap3A_96 = arith.constant 64 : index
      %swap3A_97 = tpu.vector_load %arg8[%swap3A_95, %swap3A_96] {strides = array<i32>} : memref<64x80xf32, #tpu.memory_space<vmem>>, vector<1x16xf32>,
      %swap3A_98 = vector.shape_cast %swap3A_97 : vector<1x16xf32> to vector<16xf32>
      %swap3A_99 = vector.shape_cast %scan3A_68#4 : vector<16xf32> to vector<1x16xf32>
      tpu.vector_store %arg8[%swap3A_95, %swap3A_96], %swap3A_99 {strides = array<i32>} : memref<64x80xf32, #tpu.memory_space<vmem>>, vector<1x16xf32>,
      %mul3A_100 = arith.constant 4 : i32
      %mul3A_101 = arith.muli %mul3A_100, %scan3A_63 : i32
      %add3A_102 = arith.constant 32 : i32
      %add3A_103 = arith.addi %add3A_102, %mul3A_101 : i32
      %add3A_104 = arith.constant 1 : i32
      %add3A_105 = arith.addi %add3A_103, %add3A_104 : i32
      %swap3A_106 = arith.index_cast %add3A_105 : i32 to index
      %swap3A_107 = arith.constant 0 : index
      %swap3A_108 = tpu.vector_load %arg8[%swap3A_106, %swap3A_107] {strides = array<i32>} : memref<64x80xf32, #tpu.memory_space<vmem>>, vector<1x16xf32>,
      %swap3A_109 = vector.shape_cast %swap3A_108 : vector<1x16xf32> to vector<16xf32>
      %swap3A_110 = vector.shape_cast %scan3A_68#5 : vector<16xf32> to vector<1x16xf32>
      tpu.vector_store %arg8[%swap3A_106, %swap3A_107], %swap3A_110 {strides = array<i32>} : memref<64x80xf32, #tpu.memory_space<vmem>>, vector<1x16xf32>,
      %swap3A_111 = arith.index_cast %add3A_105 : i32 to index
      %swap3A_112 = arith.constant 16 : index
      %swap3A_113 = tpu.vector_load %arg8[%swap3A_111, %swap3A_112] {strides = array<i32>} : memref<64x80xf32, #tpu.memory_space<vmem>>, vector<1x16xf32>,
      %swap3A_114 = vector.shape_cast %swap3A_113 : vector<1x16xf32> to vector<16xf32>
      %swap3A_115 = vector.shape_cast %scan3A_68#6 : vector<16xf32> to vector<1x16xf32>
      tpu.vector_store %arg8[%swap3A_111, %swap3A_112], %swap3A_115 {strides = array<i32>} : memref<64x80xf32, #tpu.memory_space<vmem>>, vector<1x16xf32>,
      %swap3A_116 = arith.index_cast %add3A_105 : i32 to index
      %swap3A_117 = arith.constant 32 : index
      %swap3A_118 = tpu.vector_load %arg8[%swap3A_116, %swap3A_117] {strides = array<i32>} : memref<64x80xf32, #tpu.memory_space<vmem>>, vector<1x16xf32>,
      %swap3A_119 = vector.shape_cast %swap3A_118 : vector<1x16xf32> to vector<16xf32>
      %swap3A_120 = vector.shape_cast %scan3A_68#7 : vector<16xf32> to vector<1x16xf32>
      tpu.vector_store %arg8[%swap3A_116, %swap3A_117], %swap3A_120 {strides = array<i32>} : memref<64x80xf32, #tpu.memory_space<vmem>>, vector<1x16xf32>,
      %swap3A_121 = arith.index_cast %add3A_105 : i32 to index
      %swap3A_122 = arith.constant 48 : index
      %swap3A_123 = tpu.vector_load %arg8[%swap3A_121, %swap3A_122] {strides = array<i32>} : memref<64x80xf32, #tpu.memory_space<vmem>>, vector<1x16xf32>,
      %swap3A_124 = vector.shape_cast %swap3A_123 : vector<1x16xf32> to vector<16xf32>
      %swap3A_125 = vector.shape_cast %scan3A_68#8 : vector<16xf32> to vector<1x16xf32>
      tpu.vector_store %arg8[%swap3A_121, %swap3A_122], %swap3A_125 {strides = array<i32>} : memref<64x80xf32, #tpu.memory_space<vmem>>, vector<1x16xf32>,
      %swap3A_126 = arith.index_cast %add3A_105 : i32 to index
      %swap3A_127 = arith.constant 64 : index
      %swap3A_128 = tpu.vector_load %arg8[%swap3A_126, %swap3A_127] {strides = array<i32>} : memref<64x80xf32, #tpu.memory_space<vmem>>, vector<1x16xf32>,
      %swap3A_129 = vector.shape_cast %swap3A_128 : vector<1x16xf32> to vector<16xf32>
      %swap3A_130 = vector.shape_cast %scan3A_68#9 : vector<16xf32> to vector<1x16xf32>
      tpu.vector_store %arg8[%swap3A_126, %swap3A_127], %swap3A_130 {strides = array<i32>} : memref<64x80xf32, #tpu.memory_space<vmem>>, vector<1x16xf32>,
      %mul3A_131 = arith.constant 4 : i32
      %mul3A_132 = arith.muli %mul3A_131, %scan3A_63 : i32
      %add3A_133 = arith.constant 32 : i32
      %add3A_134 = arith.addi %add3A_133, %mul3A_132 : i32
      %add3A_135 = arith.constant 2 : i32
      %add3A_136 = arith.addi %add3A_134, %add3A_135 : i32
      %swap3A_137 = arith.index_cast %add3A_136 : i32 to index
      %swap3A_138 = arith.constant 0 : index
      %swap3A_139 = tpu.vector_load %arg8[%swap3A_137, %swap3A_138] {strides = array<i32>} : memref<64x80xf32, #tpu.memory_space<vmem>>, vector<1x16xf32>,
      %swap3A_140 = vector.shape_cast %swap3A_139 : vector<1x16xf32> to vector<16xf32>
      %swap3A_141 = vector.shape_cast %scan3A_68#10 : vector<16xf32> to vector<1x16xf32>
      tpu.vector_store %arg8[%swap3A_137, %swap3A_138], %swap3A_141 {strides = array<i32>} : memref<64x80xf32, #tpu.memory_space<vmem>>, vector<1x16xf32>,
      %swap3A_142 = arith.index_cast %add3A_136 : i32 to index
      %swap3A_143 = arith.constant 16 : index
      %swap3A_144 = tpu.vector_load %arg8[%swap3A_142, %swap3A_143] {strides = array<i32>} : memref<64x80xf32, #tpu.memory_space<vmem>>, vector<1x16xf32>,
      %swap3A_145 = vector.shape_cast %swap3A_144 : vector<1x16xf32> to vector<16xf32>
      %swap3A_146 = vector.shape_cast %scan3A_68#11 : vector<16xf32> to vector<1x16xf32>
      tpu.vector_store %arg8[%swap3A_142, %swap3A_143], %swap3A_146 {strides = array<i32>} : memref<64x80xf32, #tpu.memory_space<vmem>>, vector<1x16xf32>,
      %swap3A_147 = arith.index_cast %add3A_136 : i32 to index
      %swap3A_148 = arith.constant 32 : index
      %swap3A_149 = tpu.vector_load %arg8[%swap3A_147, %swap3A_148] {strides = array<i32>} : memref<64x80xf32, #tpu.memory_space<vmem>>, vector<1x16xf32>,
      %swap3A_150 = vector.shape_cast %swap3A_149 : vector<1x16xf32> to vector<16xf32>
      %swap3A_151 = vector.shape_cast %scan3A_68#12 : vector<16xf32> to vector<1x16xf32>
      tpu.vector_store %arg8[%swap3A_147, %swap3A_148], %swap3A_151 {strides = array<i32>} : memref<64x80xf32, #tpu.memory_space<vmem>>, vector<1x16xf32>,
      %swap3A_152 = arith.index_cast %add3A_136 : i32 to index
      %swap3A_153 = arith.constant 48 : index
      %swap3A_154 = tpu.vector_load %arg8[%swap3A_152, %swap3A_153] {strides = array<i32>} : memref<64x80xf32, #tpu.memory_space<vmem>>, vector<1x16xf32>,
      %swap3A_155 = vector.shape_cast %swap3A_154 : vector<1x16xf32> to vector<16xf32>
      %swap3A_156 = vector.shape_cast %scan3A_68#13 : vector<16xf32> to vector<1x16xf32>
      tpu.vector_store %arg8[%swap3A_152, %swap3A_153], %swap3A_156 {strides = array<i32>} : memref<64x80xf32, #tpu.memory_space<vmem>>, vector<1x16xf32>,
      %swap3A_157 = arith.index_cast %add3A_136 : i32 to index
      %swap3A_158 = arith.constant 64 : index
      %swap3A_159 = tpu.vector_load %arg8[%swap3A_157, %swap3A_158] {strides = array<i32>} : memref<64x80xf32, #tpu.memory_space<vmem>>, vector<1x16xf32>,
      %swap3A_160 = vector.shape_cast %swap3A_159 : vector<1x16xf32> to vector<16xf32>
      %swap3A_161 = vector.shape_cast %scan3A_68#14 : vector<16xf32> to vector<1x16xf32>
      tpu.vector_store %arg8[%swap3A_157, %swap3A_158], %swap3A_161 {strides = array<i32>} : memref<64x80xf32, #tpu.memory_space<vmem>>, vector<1x16xf32>,
      %mul3A_162 = arith.constant 4 : i32
      %mul3A_163 = arith.muli %mul3A_162, %scan3A_63 : i32
      %add3A_164 = arith.constant 32 : i32
      %add3A_165 = arith.addi %add3A_164, %mul3A_163 : i32
      %add3A_166 = arith.constant 3 : i32
      %add3A_167 = arith.addi %add3A_165, %add3A_166 : i32
      %swap3A_168 = arith.index_cast %add3A_167 : i32 to index
      %swap3A_169 = arith.constant 0 : index
      %swap3A_170 = tpu.vector_load %arg8[%swap3A_168, %swap3A_169] {strides = array<i32>} : memref<64x80xf32, #tpu.memory_space<vmem>>, vector<1x16xf32>,
      %swap3A_171 = vector.shape_cast %swap3A_170 : vector<1x16xf32> to vector<16xf32>
      %swap3A_172 = vector.shape_cast %scan3A_68#15 : vector<16xf32> to vector<1x16xf32>
      tpu.vector_store %arg8[%swap3A_168, %swap3A_169], %swap3A_172 {strides = array<i32>} : memref<64x80xf32, #tpu.memory_space<vmem>>, vector<1x16xf32>,
      %swap3A_173 = arith.index_cast %add3A_167 : i32 to index
      %swap3A_174 = arith.constant 16 : index
      %swap3A_175 = tpu.vector_load %arg8[%swap3A_173, %swap3A_174] {strides = array<i32>} : memref<64x80xf32, #tpu.memory_space<vmem>>, vector<1x16xf32>,
      %swap3A_176 = vector.shape_cast %swap3A_175 : vector<1x16xf32> to vector<16xf32>
      %swap3A_177 = vector.shape_cast %scan3A_68#16 : vector<16xf32> to vector<1x16xf32>
      tpu.vector_store %arg8[%swap3A_173, %swap3A_174], %swap3A_177 {strides = array<i32>} : memref<64x80xf32, #tpu.memory_space<vmem>>, vector<1x16xf32>,
      %swap3A_178 = arith.index_cast %add3A_167 : i32 to index
      %swap3A_179 = arith.constant 32 : index
      %swap3A_180 = tpu.vector_load %arg8[%swap3A_178, %swap3A_179] {strides = array<i32>} : memref<64x80xf32, #tpu.memory_space<vmem>>, vector<1x16xf32>,
      %swap3A_181 = vector.shape_cast %swap3A_180 : vector<1x16xf32> to vector<16xf32>
      %swap3A_182 = vector.shape_cast %scan3A_68#17 : vector<16xf32> to vector<1x16xf32>
      tpu.vector_store %arg8[%swap3A_178, %swap3A_179], %swap3A_182 {strides = array<i32>} : memref<64x80xf32, #tpu.memory_space<vmem>>, vector<1x16xf32>,
      %swap3A_183 = arith.index_cast %add3A_167 : i32 to index
      %swap3A_184 = arith.constant 48 : index
      %swap3A_185 = tpu.vector_load %arg8[%swap3A_183, %swap3A_184] {strides = array<i32>} : memref<64x80xf32, #tpu.memory_space<vmem>>, vector<1x16xf32>,
      %swap3A_186 = vector.shape_cast %swap3A_185 : vector<1x16xf32> to vector<16xf32>
      %swap3A_187 = vector.shape_cast %scan3A_68#18 : vector<16xf32> to vector<1x16xf32>
      tpu.vector_store %arg8[%swap3A_183, %swap3A_184], %swap3A_187 {strides = array<i32>} : memref<64x80xf32, #tpu.memory_space<vmem>>, vector<1x16xf32>,
      %swap3A_188 = arith.index_cast %add3A_167 : i32 to index
      %swap3A_189 = arith.constant 64 : index
      %swap3A_190 = tpu.vector_load %arg8[%swap3A_188, %swap3A_189] {strides = array<i32>} : memref<64x80xf32, #tpu.memory_space<vmem>>, vector<1x16xf32>,
      %swap3A_191 = vector.shape_cast %swap3A_190 : vector<1x16xf32> to vector<16xf32>
      %swap3A_192 = vector.shape_cast %scan3A_68#19 : vector<16xf32> to vector<1x16xf32>
      tpu.vector_store %arg8[%swap3A_188, %swap3A_189], %swap3A_192 {strides = array<i32>} : memref<64x80xf32, #tpu.memory_space<vmem>>, vector<1x16xf32>,
    }
    %scan3A_52 = arith.constant 4 : i32
    %dma_wait3A_53 = arith.constant 0 : i32
    %dma_wait3A_54 = tpu.memref_slice %arg2[%add3A_38, %dma_wait3A_53] : memref<2048x2048xf32, #tpu.memory_space<hbm>> -> memref<16x2048xf32, #tpu.memory_space<hbm>>
    %dma_wait3A_55 = arith.constant 0 : i32
    %dma_wait3A_56 = tpu.memref_slice %arg2[%add3A_38, %dma_wait3A_55] : memref<2048x2048xf32, #tpu.memory_space<hbm>> -> memref<16x2048xf32, #tpu.memory_space<hbm>>
    tpu.wait_dma2 semaphore(%arg10 : memref<!tpu.dma_semaphore, #tpu.memory_space<semaphore_mem>>) src(%dma_wait3A_56 : memref<16x2048xf32, #tpu.memory_space<hbm>>) dst(%arg7 : memref<16x2048xf32, #tpu.memory_space<vmem>>)
    %scan3A_57 = arith.constant 0 : i32
    %scan3A_58 = arith.constant 0 : i32
    %scan3A_59 = arith.constant 4 : i32
    %scan3A_60 = arith.addi %scan3A_58, %scan3A_59 : i32
    %scan3A_61 = arith.constant 1 : i32
    scf.for %scan3A_63 = %scan3A_58 to %scan3A_60 step %scan3A_61  : i32 {
      %scan3A_64 = arith.constant 0 : i32
      %scan3A_65 = arith.constant 128 : i32
      %scan3A_66 = arith.addi %scan3A_64, %scan3A_65 : i32
      %scan3A_67 = arith.constant 1 : i32
      %scan3A_68:20 = scf.for %scan3A_193 = %scan3A_64 to %scan3A_66 step %scan3A_67 iter_args(%scan3A_194 = %broadcast_in_dim3A_3, %scan3A_195 = %broadcast_in_dim3A_3, %scan3A_196 = %broadcast_in_dim3A_3, %scan3A_197 = %broadcast_in_dim3A_3, %scan3A_198 = %broadcast_in_dim3A_3, %scan3A_199 = %broadcast_in_dim3A_3, %scan3A_200 = %broadcast_in_dim3A_3, %scan3A_201 = %broadcast_in_dim3A_3, %scan3A_202 = %broadcast_in_dim3A_3, %scan3A_203 = %broadcast_in_dim3A_3, %scan3A_204 = %broadcast_in_dim3A_3, %scan3A_205 = %broadcast_in_dim3A_3, %scan3A_206 = %broadcast_in_dim3A_3, %scan3A_207 = %broadcast_in_dim3A_3, %scan3A_208 = %broadcast_in_dim3A_3, %scan3A_209 = %broadcast_in_dim3A_3, %scan3A_210 = %broadcast_in_dim3A_3, %scan3A_211 = %broadcast_in_dim3A_3, %scan3A_212 = %broadcast_in_dim3A_3, %scan3A_213 = %broadcast_in_dim3A_3) -> (vector<16xf32>, vector<16xf32>, vector<16xf32>, vector<16xf32>, vector<16xf32>, vector<16xf32>, vector<16xf32>, vector<16xf32>, vector<16xf32>, vector<16xf32>, vector<16xf32>, vector<16xf32>, vector<16xf32>, vector<16xf32>, vector<16xf32>, vector<16xf32>, vector<16xf32>, vector<16xf32>, vector<16xf32>, vector<16xf32>)  : i32 {
        %mul3A_214 = arith.constant 16 : i32
        %mul3A_215 = arith.muli %scan3A_193, %mul3A_214 : i32
        %get3A = arith.index_cast %mul3A_215 : i32 to index
        %get3A_216 = tpu.vector_load %arg5[%get3A] {strides = array<i32>} : memref<2048xf32, #tpu.memory_space<vmem>>, vector<16xf32>,
        %get3A_217 = vector.shape_cast %get3A_216 : vector<16xf32> to vector<16xf32>
        %mul3A_218 = arith.constant 4 : i32
        %mul3A_219 = arith.muli %mul3A_218, %scan3A_63 : i32
        %add3A_220 = arith.constant 0 : i32
        %add3A_221 = arith.addi %mul3A_219, %add3A_220 : i32
        %get3A_222 = arith.index_cast %add3A_221 : i32 to index
        %get3A_223 = arith.index_cast %mul3A_215 : i32 to index
        %get3A_224 = tpu.vector_load %arg7[%get3A_222, %get3A_223] {strides = array<i32>} : memref<16x2048xf32, #tpu.memory_space<vmem>>, vector<1x16xf32>,
        %get3A_225 = vector.shape_cast %get3A_224 : vector<1x16xf32> to vector<16xf32>
        %add3A_226 = arith.addf %get3A_225, %get3A_217 : vector<16xf32>
        %min3A = arith.minimumf %scan3A_198, %add3A_226 : vector<16xf32>
        %max3A = arith.maximumf %scan3A_198, %add3A_226 : vector<16xf32>
        %min3A_227 = arith.minimumf %scan3A_197, %max3A : vector<16xf32>
        %max3A_228 = arith.maximumf %scan3A_197, %max3A : vector<16xf32>
        %min3A_229 = arith.minimumf %scan3A_196, %max3A_228 : vector<16xf32>
        %max3A_230 = arith.maximumf %scan3A_196, %max3A_228 : vector<16xf32>
        %min3A_231 = arith.minimumf %scan3A_195, %max3A_230 : vector<16xf32>
        %max3A_232 = arith.maximumf %scan3A_195, %max3A_230 : vector<16xf32>
        %min3A_233 = arith.minimumf %scan3A_194, %max3A_232 : vector<16xf32>
        %max3A_234 = arith.maximumf %scan3A_194, %max3A_232 : vector<16xf32>
        %mul3A_235 = arith.constant 4 : i32
        %mul3A_236 = arith.muli %mul3A_235, %scan3A_63 : i32
        %add3A_237 = arith.constant 1 : i32
        %add3A_238 = arith.addi %mul3A_236, %add3A_237 : i32
        %get3A_239 = arith.index_cast %add3A_238 : i32 to index
        %get3A_240 = arith.index_cast %mul3A_215 : i32 to index
        %get3A_241 = tpu.vector_load %arg7[%get3A_239, %get3A_240] {strides = array<i32>} : memref<16x2048xf32, #tpu.memory_space<vmem>>, vector<1x16xf32>,
        %get3A_242 = vector.shape_cast %get3A_241 : vector<1x16xf32> to vector<16xf32>
        %add3A_243 = arith.addf %get3A_242, %get3A_217 : vector<16xf32>
        %min3A_244 = arith.minimumf %scan3A_203, %add3A_243 : vector<16xf32>
        %max3A_245 = arith.maximumf %scan3A_203, %add3A_243 : vector<16xf32>
        %min3A_246 = arith.minimumf %scan3A_202, %max3A_245 : vector<16xf32>
        %max3A_247 = arith.maximumf %scan3A_202, %max3A_245 : vector<16xf32>
        %min3A_248 = arith.minimumf %scan3A_201, %max3A_247 : vector<16xf32>
        %max3A_249 = arith.maximumf %scan3A_201, %max3A_247 : vector<16xf32>
        %min3A_250 = arith.minimumf %scan3A_200, %max3A_249 : vector<16xf32>
        %max3A_251 = arith.maximumf %scan3A_200, %max3A_249 : vector<16xf32>
        %min3A_252 = arith.minimumf %scan3A_199, %max3A_251 : vector<16xf32>
        %max3A_253 = arith.maximumf %scan3A_199, %max3A_251 : vector<16xf32>
        %mul3A_254 = arith.constant 4 : i32
        %mul3A_255 = arith.muli %mul3A_254, %scan3A_63 : i32
        %add3A_256 = arith.constant 2 : i32
        %add3A_257 = arith.addi %mul3A_255, %add3A_256 : i32
        %get3A_258 = arith.index_cast %add3A_257 : i32 to index
        %get3A_259 = arith.index_cast %mul3A_215 : i32 to index
        %get3A_260 = tpu.vector_load %arg7[%get3A_258, %get3A_259] {strides = array<i32>} : memref<16x2048xf32, #tpu.memory_space<vmem>>, vector<1x16xf32>,
        %get3A_261 = vector.shape_cast %get3A_260 : vector<1x16xf32> to vector<16xf32>
        %add3A_262 = arith.addf %get3A_261, %get3A_217 : vector<16xf32>
        %min3A_263 = arith.minimumf %scan3A_208, %add3A_262 : vector<16xf32>
        %max3A_264 = arith.maximumf %scan3A_208, %add3A_262 : vector<16xf32>
        %min3A_265 = arith.minimumf %scan3A_207, %max3A_264 : vector<16xf32>
        %max3A_266 = arith.maximumf %scan3A_207, %max3A_264 : vector<16xf32>
        %min3A_267 = arith.minimumf %scan3A_206, %max3A_266 : vector<16xf32>
        %max3A_268 = arith.maximumf %scan3A_206, %max3A_266 : vector<16xf32>
        %min3A_269 = arith.minimumf %scan3A_205, %max3A_268 : vector<16xf32>
        %max3A_270 = arith.maximumf %scan3A_205, %max3A_268 : vector<16xf32>
        %min3A_271 = arith.minimumf %scan3A_204, %max3A_270 : vector<16xf32>
        %max3A_272 = arith.maximumf %scan3A_204, %max3A_270 : vector<16xf32>
        %mul3A_273 = arith.constant 4 : i32
        %mul3A_274 = arith.muli %mul3A_273, %scan3A_63 : i32
        %add3A_275 = arith.constant 3 : i32
        %add3A_276 = arith.addi %mul3A_274, %add3A_275 : i32
        %get3A_277 = arith.index_cast %add3A_276 : i32 to index
        %get3A_278 = arith.index_cast %mul3A_215 : i32 to index
        %get3A_279 = tpu.vector_load %arg7[%get3A_277, %get3A_278] {strides = array<i32>} : memref<16x2048xf32, #tpu.memory_space<vmem>>, vector<1x16xf32>,
        %get3A_280 = vector.shape_cast %get3A_279 : vector<1x16xf32> to vector<16xf32>
        %add3A_281 = arith.addf %get3A_280, %get3A_217 : vector<16xf32>
        %min3A_282 = arith.minimumf %scan3A_213, %add3A_281 : vector<16xf32>
        %max3A_283 = arith.maximumf %scan3A_213, %add3A_281 : vector<16xf32>
        %min3A_284 = arith.minimumf %scan3A_212, %max3A_283 : vector<16xf32>
        %max3A_285 = arith.maximumf %scan3A_212, %max3A_283 : vector<16xf32>
        %min3A_286 = arith.minimumf %scan3A_211, %max3A_285 : vector<16xf32>
        %max3A_287 = arith.maximumf %scan3A_211, %max3A_285 : vector<16xf32>
        %min3A_288 = arith.minimumf %scan3A_210, %max3A_287 : vector<16xf32>
        %max3A_289 = arith.maximumf %scan3A_210, %max3A_287 : vector<16xf32>
        %min3A_290 = arith.minimumf %scan3A_209, %max3A_289 : vector<16xf32>
        %max3A_291 = arith.maximumf %scan3A_209, %max3A_289 : vector<16xf32>
        scf.yield %min3A_233, %min3A_231, %min3A_229, %min3A_227, %min3A, %min3A_252, %min3A_250, %min3A_248, %min3A_246, %min3A_244, %min3A_271, %min3A_269, %min3A_267, %min3A_265, %min3A_263, %min3A_290, %min3A_288, %min3A_286, %min3A_284, %min3A_282 : vector<16xf32>, vector<16xf32>, vector<16xf32>, vector<16xf32>, vector<16xf32>, vector<16xf32>, vector<16xf32>, vector<16xf32>, vector<16xf32>, vector<16xf32>, vector<16xf32>, vector<16xf32>, vector<16xf32>, vector<16xf32>, vector<16xf32>, vector<16xf32>, vector<16xf32>, vector<16xf32>, vector<16xf32>, vector<16xf32>
      }
      %scan3A_69 = arith.constant 128 : i32
      %mul3A_70 = arith.constant 4 : i32
      %mul3A_71 = arith.muli %mul3A_70, %scan3A_63 : i32
      %add3A_72 = arith.constant 48 : i32
      %add3A_73 = arith.addi %add3A_72, %mul3A_71 : i32
      %add3A_74 = arith.constant 0 : i32
      %add3A_75 = arith.addi %add3A_73, %add3A_74 : i32
      %swap3A = arith.index_cast %add3A_75 : i32 to index
      %swap3A_76 = arith.constant 0 : index
      %swap3A_77 = tpu.vector_load %arg8[%swap3A, %swap3A_76] {strides = array<i32>} : memref<64x80xf32, #tpu.memory_space<vmem>>, vector<1x16xf32>,
      %swap3A_78 = vector.shape_cast %swap3A_77 : vector<1x16xf32> to vector<16xf32>
      %swap3A_79 = vector.shape_cast %scan3A_68#0 : vector<16xf32> to vector<1x16xf32>
      tpu.vector_store %arg8[%swap3A, %swap3A_76], %swap3A_79 {strides = array<i32>} : memref<64x80xf32, #tpu.memory_space<vmem>>, vector<1x16xf32>,
      %swap3A_80 = arith.index_cast %add3A_75 : i32 to index
      %swap3A_81 = arith.constant 16 : index
      %swap3A_82 = tpu.vector_load %arg8[%swap3A_80, %swap3A_81] {strides = array<i32>} : memref<64x80xf32, #tpu.memory_space<vmem>>, vector<1x16xf32>,
      %swap3A_83 = vector.shape_cast %swap3A_82 : vector<1x16xf32> to vector<16xf32>
      %swap3A_84 = vector.shape_cast %scan3A_68#1 : vector<16xf32> to vector<1x16xf32>
      tpu.vector_store %arg8[%swap3A_80, %swap3A_81], %swap3A_84 {strides = array<i32>} : memref<64x80xf32, #tpu.memory_space<vmem>>, vector<1x16xf32>,
      %swap3A_85 = arith.index_cast %add3A_75 : i32 to index
      %swap3A_86 = arith.constant 32 : index
      %swap3A_87 = tpu.vector_load %arg8[%swap3A_85, %swap3A_86] {strides = array<i32>} : memref<64x80xf32, #tpu.memory_space<vmem>>, vector<1x16xf32>,
      %swap3A_88 = vector.shape_cast %swap3A_87 : vector<1x16xf32> to vector<16xf32>
      %swap3A_89 = vector.shape_cast %scan3A_68#2 : vector<16xf32> to vector<1x16xf32>
      tpu.vector_store %arg8[%swap3A_85, %swap3A_86], %swap3A_89 {strides = array<i32>} : memref<64x80xf32, #tpu.memory_space<vmem>>, vector<1x16xf32>,
      %swap3A_90 = arith.index_cast %add3A_75 : i32 to index
      %swap3A_91 = arith.constant 48 : index
      %swap3A_92 = tpu.vector_load %arg8[%swap3A_90, %swap3A_91] {strides = array<i32>} : memref<64x80xf32, #tpu.memory_space<vmem>>, vector<1x16xf32>,
      %swap3A_93 = vector.shape_cast %swap3A_92 : vector<1x16xf32> to vector<16xf32>
      %swap3A_94 = vector.shape_cast %scan3A_68#3 : vector<16xf32> to vector<1x16xf32>
      tpu.vector_store %arg8[%swap3A_90, %swap3A_91], %swap3A_94 {strides = array<i32>} : memref<64x80xf32, #tpu.memory_space<vmem>>, vector<1x16xf32>,
      %swap3A_95 = arith.index_cast %add3A_75 : i32 to index
      %swap3A_96 = arith.constant 64 : index
      %swap3A_97 = tpu.vector_load %arg8[%swap3A_95, %swap3A_96] {strides = array<i32>} : memref<64x80xf32, #tpu.memory_space<vmem>>, vector<1x16xf32>,
      %swap3A_98 = vector.shape_cast %swap3A_97 : vector<1x16xf32> to vector<16xf32>
      %swap3A_99 = vector.shape_cast %scan3A_68#4 : vector<16xf32> to vector<1x16xf32>
      tpu.vector_store %arg8[%swap3A_95, %swap3A_96], %swap3A_99 {strides = array<i32>} : memref<64x80xf32, #tpu.memory_space<vmem>>, vector<1x16xf32>,
      %mul3A_100 = arith.constant 4 : i32
      %mul3A_101 = arith.muli %mul3A_100, %scan3A_63 : i32
      %add3A_102 = arith.constant 48 : i32
      %add3A_103 = arith.addi %add3A_102, %mul3A_101 : i32
      %add3A_104 = arith.constant 1 : i32
      %add3A_105 = arith.addi %add3A_103, %add3A_104 : i32
      %swap3A_106 = arith.index_cast %add3A_105 : i32 to index
      %swap3A_107 = arith.constant 0 : index
      %swap3A_108 = tpu.vector_load %arg8[%swap3A_106, %swap3A_107] {strides = array<i32>} : memref<64x80xf32, #tpu.memory_space<vmem>>, vector<1x16xf32>,
      %swap3A_109 = vector.shape_cast %swap3A_108 : vector<1x16xf32> to vector<16xf32>
      %swap3A_110 = vector.shape_cast %scan3A_68#5 : vector<16xf32> to vector<1x16xf32>
      tpu.vector_store %arg8[%swap3A_106, %swap3A_107], %swap3A_110 {strides = array<i32>} : memref<64x80xf32, #tpu.memory_space<vmem>>, vector<1x16xf32>,
      %swap3A_111 = arith.index_cast %add3A_105 : i32 to index
      %swap3A_112 = arith.constant 16 : index
      %swap3A_113 = tpu.vector_load %arg8[%swap3A_111, %swap3A_112] {strides = array<i32>} : memref<64x80xf32, #tpu.memory_space<vmem>>, vector<1x16xf32>,
      %swap3A_114 = vector.shape_cast %swap3A_113 : vector<1x16xf32> to vector<16xf32>
      %swap3A_115 = vector.shape_cast %scan3A_68#6 : vector<16xf32> to vector<1x16xf32>
      tpu.vector_store %arg8[%swap3A_111, %swap3A_112], %swap3A_115 {strides = array<i32>} : memref<64x80xf32, #tpu.memory_space<vmem>>, vector<1x16xf32>,
      %swap3A_116 = arith.index_cast %add3A_105 : i32 to index
      %swap3A_117 = arith.constant 32 : index
      %swap3A_118 = tpu.vector_load %arg8[%swap3A_116, %swap3A_117] {strides = array<i32>} : memref<64x80xf32, #tpu.memory_space<vmem>>, vector<1x16xf32>,
      %swap3A_119 = vector.shape_cast %swap3A_118 : vector<1x16xf32> to vector<16xf32>
      %swap3A_120 = vector.shape_cast %scan3A_68#7 : vector<16xf32> to vector<1x16xf32>
      tpu.vector_store %arg8[%swap3A_116, %swap3A_117], %swap3A_120 {strides = array<i32>} : memref<64x80xf32, #tpu.memory_space<vmem>>, vector<1x16xf32>,
      %swap3A_121 = arith.index_cast %add3A_105 : i32 to index
      %swap3A_122 = arith.constant 48 : index
      %swap3A_123 = tpu.vector_load %arg8[%swap3A_121, %swap3A_122] {strides = array<i32>} : memref<64x80xf32, #tpu.memory_space<vmem>>, vector<1x16xf32>,
      %swap3A_124 = vector.shape_cast %swap3A_123 : vector<1x16xf32> to vector<16xf32>
      %swap3A_125 = vector.shape_cast %scan3A_68#8 : vector<16xf32> to vector<1x16xf32>
      tpu.vector_store %arg8[%swap3A_121, %swap3A_122], %swap3A_125 {strides = array<i32>} : memref<64x80xf32, #tpu.memory_space<vmem>>, vector<1x16xf32>,
      %swap3A_126 = arith.index_cast %add3A_105 : i32 to index
      %swap3A_127 = arith.constant 64 : index
      %swap3A_128 = tpu.vector_load %arg8[%swap3A_126, %swap3A_127] {strides = array<i32>} : memref<64x80xf32, #tpu.memory_space<vmem>>, vector<1x16xf32>,
      %swap3A_129 = vector.shape_cast %swap3A_128 : vector<1x16xf32> to vector<16xf32>
      %swap3A_130 = vector.shape_cast %scan3A_68#9 : vector<16xf32> to vector<1x16xf32>
      tpu.vector_store %arg8[%swap3A_126, %swap3A_127], %swap3A_130 {strides = array<i32>} : memref<64x80xf32, #tpu.memory_space<vmem>>, vector<1x16xf32>,
      %mul3A_131 = arith.constant 4 : i32
      %mul3A_132 = arith.muli %mul3A_131, %scan3A_63 : i32
      %add3A_133 = arith.constant 48 : i32
      %add3A_134 = arith.addi %add3A_133, %mul3A_132 : i32
      %add3A_135 = arith.constant 2 : i32
      %add3A_136 = arith.addi %add3A_134, %add3A_135 : i32
      %swap3A_137 = arith.index_cast %add3A_136 : i32 to index
      %swap3A_138 = arith.constant 0 : index
      %swap3A_139 = tpu.vector_load %arg8[%swap3A_137, %swap3A_138] {strides = array<i32>} : memref<64x80xf32, #tpu.memory_space<vmem>>, vector<1x16xf32>,
      %swap3A_140 = vector.shape_cast %swap3A_139 : vector<1x16xf32> to vector<16xf32>
      %swap3A_141 = vector.shape_cast %scan3A_68#10 : vector<16xf32> to vector<1x16xf32>
      tpu.vector_store %arg8[%swap3A_137, %swap3A_138], %swap3A_141 {strides = array<i32>} : memref<64x80xf32, #tpu.memory_space<vmem>>, vector<1x16xf32>,
      %swap3A_142 = arith.index_cast %add3A_136 : i32 to index
      %swap3A_143 = arith.constant 16 : index
      %swap3A_144 = tpu.vector_load %arg8[%swap3A_142, %swap3A_143] {strides = array<i32>} : memref<64x80xf32, #tpu.memory_space<vmem>>, vector<1x16xf32>,
      %swap3A_145 = vector.shape_cast %swap3A_144 : vector<1x16xf32> to vector<16xf32>
      %swap3A_146 = vector.shape_cast %scan3A_68#11 : vector<16xf32> to vector<1x16xf32>
      tpu.vector_store %arg8[%swap3A_142, %swap3A_143], %swap3A_146 {strides = array<i32>} : memref<64x80xf32, #tpu.memory_space<vmem>>, vector<1x16xf32>,
      %swap3A_147 = arith.index_cast %add3A_136 : i32 to index
      %swap3A_148 = arith.constant 32 : index
      %swap3A_149 = tpu.vector_load %arg8[%swap3A_147, %swap3A_148] {strides = array<i32>} : memref<64x80xf32, #tpu.memory_space<vmem>>, vector<1x16xf32>,
      %swap3A_150 = vector.shape_cast %swap3A_149 : vector<1x16xf32> to vector<16xf32>
      %swap3A_151 = vector.shape_cast %scan3A_68#12 : vector<16xf32> to vector<1x16xf32>
      tpu.vector_store %arg8[%swap3A_147, %swap3A_148], %swap3A_151 {strides = array<i32>} : memref<64x80xf32, #tpu.memory_space<vmem>>, vector<1x16xf32>,
      %swap3A_152 = arith.index_cast %add3A_136 : i32 to index
      %swap3A_153 = arith.constant 48 : index
      %swap3A_154 = tpu.vector_load %arg8[%swap3A_152, %swap3A_153] {strides = array<i32>} : memref<64x80xf32, #tpu.memory_space<vmem>>, vector<1x16xf32>,
      %swap3A_155 = vector.shape_cast %swap3A_154 : vector<1x16xf32> to vector<16xf32>
      %swap3A_156 = vector.shape_cast %scan3A_68#13 : vector<16xf32> to vector<1x16xf32>
      tpu.vector_store %arg8[%swap3A_152, %swap3A_153], %swap3A_156 {strides = array<i32>} : memref<64x80xf32, #tpu.memory_space<vmem>>, vector<1x16xf32>,
      %swap3A_157 = arith.index_cast %add3A_136 : i32 to index
      %swap3A_158 = arith.constant 64 : index
      %swap3A_159 = tpu.vector_load %arg8[%swap3A_157, %swap3A_158] {strides = array<i32>} : memref<64x80xf32, #tpu.memory_space<vmem>>, vector<1x16xf32>,
      %swap3A_160 = vector.shape_cast %swap3A_159 : vector<1x16xf32> to vector<16xf32>
      %swap3A_161 = vector.shape_cast %scan3A_68#14 : vector<16xf32> to vector<1x16xf32>
      tpu.vector_store %arg8[%swap3A_157, %swap3A_158], %swap3A_161 {strides = array<i32>} : memref<64x80xf32, #tpu.memory_space<vmem>>, vector<1x16xf32>,
      %mul3A_162 = arith.constant 4 : i32
      %mul3A_163 = arith.muli %mul3A_162, %scan3A_63 : i32
      %add3A_164 = arith.constant 48 : i32
      %add3A_165 = arith.addi %add3A_164, %mul3A_163 : i32
      %add3A_166 = arith.constant 3 : i32
      %add3A_167 = arith.addi %add3A_165, %add3A_166 : i32
      %swap3A_168 = arith.index_cast %add3A_167 : i32 to index
      %swap3A_169 = arith.constant 0 : index
      %swap3A_170 = tpu.vector_load %arg8[%swap3A_168, %swap3A_169] {strides = array<i32>} : memref<64x80xf32, #tpu.memory_space<vmem>>, vector<1x16xf32>,
      %swap3A_171 = vector.shape_cast %swap3A_170 : vector<1x16xf32> to vector<16xf32>
      %swap3A_172 = vector.shape_cast %scan3A_68#15 : vector<16xf32> to vector<1x16xf32>
      tpu.vector_store %arg8[%swap3A_168, %swap3A_169], %swap3A_172 {strides = array<i32>} : memref<64x80xf32, #tpu.memory_space<vmem>>, vector<1x16xf32>,
      %swap3A_173 = arith.index_cast %add3A_167 : i32 to index
      %swap3A_174 = arith.constant 16 : index
      %swap3A_175 = tpu.vector_load %arg8[%swap3A_173, %swap3A_174] {strides = array<i32>} : memref<64x80xf32, #tpu.memory_space<vmem>>, vector<1x16xf32>,
      %swap3A_176 = vector.shape_cast %swap3A_175 : vector<1x16xf32> to vector<16xf32>
      %swap3A_177 = vector.shape_cast %scan3A_68#16 : vector<16xf32> to vector<1x16xf32>
      tpu.vector_store %arg8[%swap3A_173, %swap3A_174], %swap3A_177 {strides = array<i32>} : memref<64x80xf32, #tpu.memory_space<vmem>>, vector<1x16xf32>,
      %swap3A_178 = arith.index_cast %add3A_167 : i32 to index
      %swap3A_179 = arith.constant 32 : index
      %swap3A_180 = tpu.vector_load %arg8[%swap3A_178, %swap3A_179] {strides = array<i32>} : memref<64x80xf32, #tpu.memory_space<vmem>>, vector<1x16xf32>,
      %swap3A_181 = vector.shape_cast %swap3A_180 : vector<1x16xf32> to vector<16xf32>
      %swap3A_182 = vector.shape_cast %scan3A_68#17 : vector<16xf32> to vector<1x16xf32>
      tpu.vector_store %arg8[%swap3A_178, %swap3A_179], %swap3A_182 {strides = array<i32>} : memref<64x80xf32, #tpu.memory_space<vmem>>, vector<1x16xf32>,
      %swap3A_183 = arith.index_cast %add3A_167 : i32 to index
      %swap3A_184 = arith.constant 48 : index
      %swap3A_185 = tpu.vector_load %arg8[%swap3A_183, %swap3A_184] {strides = array<i32>} : memref<64x80xf32, #tpu.memory_space<vmem>>, vector<1x16xf32>,
      %swap3A_186 = vector.shape_cast %swap3A_185 : vector<1x16xf32> to vector<16xf32>
      %swap3A_187 = vector.shape_cast %scan3A_68#18 : vector<16xf32> to vector<1x16xf32>
      tpu.vector_store %arg8[%swap3A_183, %swap3A_184], %swap3A_187 {strides = array<i32>} : memref<64x80xf32, #tpu.memory_space<vmem>>, vector<1x16xf32>,
      %swap3A_188 = arith.index_cast %add3A_167 : i32 to index
      %swap3A_189 = arith.constant 64 : index
      %swap3A_190 = tpu.vector_load %arg8[%swap3A_188, %swap3A_189] {strides = array<i32>} : memref<64x80xf32, #tpu.memory_space<vmem>>, vector<1x16xf32>,
      %swap3A_191 = vector.shape_cast %swap3A_190 : vector<1x16xf32> to vector<16xf32>
      %swap3A_192 = vector.shape_cast %scan3A_68#19 : vector<16xf32> to vector<1x16xf32>
      tpu.vector_store %arg8[%swap3A_188, %swap3A_189], %swap3A_192 {strides = array<i32>} : memref<64x80xf32, #tpu.memory_space<vmem>>, vector<1x16xf32>,
    }
    %scan3A_62 = arith.constant 4 : i32
    "tpu.region"() ({
      %run_scoped3A = tpu.sem_alloc : memref<!tpu.dma_semaphore, #tpu.memory_space<semaphore_mem>>
      %dma_start3A_63 = arith.constant 0 : i32
      %dma_start3A_64 = tpu.memref_slice %arg4[%mul3A_2, %dma_start3A_63] : memref<2048x80xf32, #tpu.memory_space<hbm>> -> memref<64x80xf32, #tpu.memory_space<hbm>>
      %dma_start3A_65 = arith.constant 0 : i32
      %dma_start3A_66 = tpu.memref_slice %arg4[%mul3A_2, %dma_start3A_65] : memref<2048x80xf32, #tpu.memory_space<hbm>> -> memref<64x80xf32, #tpu.memory_space<hbm>>
      tpu.enqueue_dma source(%arg8 : memref<64x80xf32, #tpu.memory_space<vmem>>) target(%dma_start3A_66 : memref<64x80xf32, #tpu.memory_space<hbm>>) target_semaphore(%run_scoped3A : memref<!tpu.dma_semaphore, #tpu.memory_space<semaphore_mem>>)
      %dma_wait3A_67 = arith.constant 0 : i32
      %dma_wait3A_68 = tpu.memref_slice %arg4[%mul3A_2, %dma_wait3A_67] : memref<2048x80xf32, #tpu.memory_space<hbm>> -> memref<64x80xf32, #tpu.memory_space<hbm>>
      %dma_wait3A_69 = arith.constant 0 : i32
      %dma_wait3A_70 = tpu.memref_slice %arg4[%mul3A_2, %dma_wait3A_69] : memref<2048x80xf32, #tpu.memory_space<hbm>> -> memref<64x80xf32, #tpu.memory_space<hbm>>
      tpu.wait_dma2 semaphore(%run_scoped3A : memref<!tpu.dma_semaphore, #tpu.memory_space<semaphore_mem>>) src(%arg8 : memref<64x80xf32, #tpu.memory_space<vmem>>) dst(%dma_wait3A_70 : memref<64x80xf32, #tpu.memory_space<hbm>>)
      tpu.yield
    }) : () -> ()
    return
  }
}

module attributes {stable_mosaic.version = 14 : i64} {
  func.func @_score_kernel(%arg0: i32, %arg1: memref<256x2048xf32, #tpu.memory_space<vmem>>, %arg2: memref<2048x2048xf32, #tpu.memory_space<vmem>>, %arg3: memref<256x2048xf32, #tpu.memory_space<vmem>>, %arg4: memref<8x256xf32, #tpu.memory_space<vmem>>) attributes {dimension_semantics = [#tpu.dimension_semantics<arbitrary>], iteration_bounds = array<i64: 8>, scalar_prefetch = 0 : i64, scratch_operands = 0 : i64, tpu.core_type = #tpu.core_type<tc>, window_params = [{transform_indices = @transform_0, window_bounds = array<i64: 256, 2048>}, {pipeline_mode = #tpu.pipeline_mode<synchronous>, transform_indices = @transform_1, window_bounds = array<i64: 2048, 2048>}, {transform_indices = @transform_2, window_bounds = array<i64: 256, 2048>}, {transform_indices = @transform_3, window_bounds = array<i64: 8, 256>}]} {
    %get3A = arith.constant 0 : index
    %get3A_0 = arith.constant 0 : index
    %get3A_1 = vector.load %arg1[%get3A, %get3A_0] : memref<256x2048xf32, #tpu.memory_space<vmem>>, vector<256x2048xf32>
    %get3A_2 = arith.constant 0 : index
    %get3A_3 = arith.constant 0 : index
    %get3A_4 = vector.load %arg2[%get3A_2, %get3A_3] : memref<2048x2048xf32, #tpu.memory_space<vmem>>, vector<2048x2048xf32>
    %dot_general3A = arith.constant dense<0.000000e+00> : vector<256x2048xf32>
    %dot_general3A_5 = tpu.matmul %get3A_1, %get3A_4, %dot_general3A {dimension_numbers = #tpu.dot_dimension_numbers<[1], [1], [0], [0], [0, 0, 1, 0], [], []>, transpose_lhs_hint = false} : vector<256x2048xf32>, vector<2048x2048xf32>, vector<256x2048xf32> -> vector<256x2048xf32>
    %mul3A = arith.mulf %get3A_1, %get3A_1 : vector<256x2048xf32>
    %reduce_sum3A = arith.constant dense<0.000000e+00> : vector<256xf32>
    %reduce_sum3A_6 = vector.multi_reduction <add>, %mul3A, %reduce_sum3A [1] : vector<256x2048xf32> to vector<256xf32>
    %broadcast_in_dim3A = vector.shape_cast %reduce_sum3A_6 : vector<256xf32> to vector<256x1xf32>
    %mul3A_7 = arith.constant 2.000000e+00 : f32
    %mul3A_8 = vector.broadcast %mul3A_7 : f32 to vector<256x2048xf32>
    %mul3A_9 = arith.mulf %mul3A_8, %dot_general3A_5 : vector<256x2048xf32>
    %sub3A = vector.broadcast %broadcast_in_dim3A : vector<256x1xf32> to vector<256x2048xf32>
    %sub3A_10 = arith.subf %sub3A, %mul3A_9 : vector<256x2048xf32>
    %swap3A = arith.constant 0 : index
    %swap3A_11 = arith.constant 0 : index
    %swap3A_12 = vector.load %arg3[%swap3A, %swap3A_11] : memref<256x2048xf32, #tpu.memory_space<vmem>>, vector<256x2048xf32>
    tpu.vector_store %arg3[%swap3A, %swap3A_11], %sub3A_10 {strides = array<i32>} : memref<256x2048xf32, #tpu.memory_space<vmem>>, vector<256x2048xf32>,
    %broadcast_in_dim3A_13 = arith.constant 1.000000e+00 : f32
    %broadcast_in_dim3A_14 = vector.broadcast %broadcast_in_dim3A_13 : f32 to vector<8x2048xf32>
    %dot_general3A_15 = arith.constant dense<0.000000e+00> : vector<8x256xf32>
    %dot_general3A_16 = tpu.matmul %broadcast_in_dim3A_14, %mul3A, %dot_general3A_15 {dimension_numbers = #tpu.dot_dimension_numbers<[1], [1], [0], [0], [0, 0, 1, 0], [], []>, transpose_lhs_hint = false} : vector<8x2048xf32>, vector<256x2048xf32>, vector<8x256xf32> -> vector<8x256xf32>
    %swap3A_17 = arith.constant 0 : index
    %swap3A_18 = arith.constant 0 : index
    %swap3A_19 = vector.load %arg4[%swap3A_17, %swap3A_18] : memref<8x256xf32, #tpu.memory_space<vmem>>, vector<8x256xf32>
    tpu.vector_store %arg4[%swap3A_17, %swap3A_18], %dot_general3A_16 {strides = array<i32>} : memref<8x256xf32, #tpu.memory_space<vmem>>, vector<8x256xf32>,
    return
  }
  func.func @transform_0(%arg0: i32) -> (i32, i32) {
    %c0_i32 = arith.constant 0 : i32
    %c0_i32_0 = arith.constant 0 : i32
    return %arg0, %c0_i32 : i32, i32
  }
  func.func @transform_1(%arg0: i32) -> (i32, i32) {
    %c0_i32 = arith.constant 0 : i32
    %c0_i32_0 = arith.constant 0 : i32
    %c0_i32_1 = arith.constant 0 : i32
    return %c0_i32, %c0_i32_0 : i32, i32
  }
  func.func @transform_2(%arg0: i32) -> (i32, i32) {
    %c0_i32 = arith.constant 0 : i32
    %c0_i32_0 = arith.constant 0 : i32
    return %arg0, %c0_i32 : i32, i32
  }
  func.func @transform_3(%arg0: i32) -> (i32, i32) {
    %c0_i32 = arith.constant 0 : i32
    %c0_i32_0 = arith.constant 0 : i32
    return %c0_i32, %arg0 : i32, i32
  }
}

module attributes {stable_mosaic.version = 14 : i64} {
  func.func @_std_kernel(%arg0: memref<2048x80xf32, #tpu.memory_space<vmem>>, %arg1: memref<1x1xf32, #tpu.memory_space<vmem>>) attributes {dimension_semantics = [], scalar_prefetch = 0 : i64, scratch_operands = 0 : i64, tpu.core_type = #tpu.core_type<tc>} {
    %get3A = arith.constant 0 : index
    %get3A_0 = arith.constant 0 : index
    %get3A_1 = vector.load %arg0[%get3A, %get3A_0] : memref<2048x80xf32, #tpu.memory_space<vmem>>, vector<2048x80xf32>
    %iota3A = tpu.iota {dimensions = array<i32: 1>} : vector<2048x80xi32>
    %reduce_min3A = arith.constant dense<0x7F800000> : vector<2048xf32>
    %reduce_min3A_2 = vector.multi_reduction <minimumf>, %get3A_1, %reduce_min3A [1] : vector<2048x80xf32> to vector<2048xf32>
    %broadcast_in_dim3A = vector.shape_cast %reduce_min3A_2 : vector<2048xf32> to vector<2048x1xf32>
    %eq3A = vector.broadcast %broadcast_in_dim3A : vector<2048x1xf32> to vector<2048x80xf32>
    %eq3A_3 = arith.cmpf oeq, %get3A_1, %eq3A : vector<2048x80xf32>
    %jit3A = arith.constant 80 : i32
    %broadcast_in_dim3A_4 = vector.broadcast %jit3A : i32 to vector<2048x80xi32>
    %select_n3A = arith.select %eq3A_3, %iota3A, %broadcast_in_dim3A_4 : vector<2048x80xi1>, vector<2048x80xi32>
    %reduce_min3A_5 = arith.constant dense<2147483647> : vector<2048xi32>
    %reduce_min3A_6 = vector.multi_reduction <minsi>, %select_n3A, %reduce_min3A_5 [1] : vector<2048x80xi32> to vector<2048xi32>
    %broadcast_in_dim3A_7 = vector.shape_cast %reduce_min3A_6 : vector<2048xi32> to vector<2048x1xi32>
    %eq3A_8 = vector.broadcast %broadcast_in_dim3A_7 : vector<2048x1xi32> to vector<2048x80xi32>
    %eq3A_9 = arith.cmpi eq, %iota3A, %eq3A_8 : vector<2048x80xi32>
    %jit3A_10 = arith.constant 0x7F800000 : f32
    %broadcast_in_dim3A_11 = vector.broadcast %jit3A_10 : f32 to vector<2048x80xf32>
    %select_n3A_12 = arith.select %eq3A_9, %broadcast_in_dim3A_11, %get3A_1 : vector<2048x80xi1>, vector<2048x80xf32>
    %reduce_min3A_13 = arith.constant dense<0x7F800000> : vector<2048xf32>
    %reduce_min3A_14 = vector.multi_reduction <minimumf>, %select_n3A_12, %reduce_min3A_13 [1] : vector<2048x80xf32> to vector<2048xf32>
    %broadcast_in_dim3A_15 = vector.shape_cast %reduce_min3A_14 : vector<2048xf32> to vector<2048x1xf32>
    %eq3A_16 = vector.broadcast %broadcast_in_dim3A_15 : vector<2048x1xf32> to vector<2048x80xf32>
    %eq3A_17 = arith.cmpf oeq, %select_n3A_12, %eq3A_16 : vector<2048x80xf32>
    %jit3A_18 = arith.constant 80 : i32
    %broadcast_in_dim3A_19 = vector.broadcast %jit3A_18 : i32 to vector<2048x80xi32>
    %select_n3A_20 = arith.select %eq3A_17, %iota3A, %broadcast_in_dim3A_19 : vector<2048x80xi1>, vector<2048x80xi32>
    %reduce_min3A_21 = arith.constant dense<2147483647> : vector<2048xi32>
    %reduce_min3A_22 = vector.multi_reduction <minsi>, %select_n3A_20, %reduce_min3A_21 [1] : vector<2048x80xi32> to vector<2048xi32>
    %broadcast_in_dim3A_23 = vector.shape_cast %reduce_min3A_22 : vector<2048xi32> to vector<2048x1xi32>
    %eq3A_24 = vector.broadcast %broadcast_in_dim3A_23 : vector<2048x1xi32> to vector<2048x80xi32>
    %eq3A_25 = arith.cmpi eq, %iota3A, %eq3A_24 : vector<2048x80xi32>
    %jit3A_26 = arith.constant 0x7F800000 : f32
    %broadcast_in_dim3A_27 = vector.broadcast %jit3A_26 : f32 to vector<2048x80xf32>
    %select_n3A_28 = arith.select %eq3A_25, %broadcast_in_dim3A_27, %select_n3A_12 : vector<2048x80xi1>, vector<2048x80xf32>
    %reduce_min3A_29 = arith.constant dense<0x7F800000> : vector<2048xf32>
    %reduce_min3A_30 = vector.multi_reduction <minimumf>, %select_n3A_28, %reduce_min3A_29 [1] : vector<2048x80xf32> to vector<2048xf32>
    %broadcast_in_dim3A_31 = vector.shape_cast %reduce_min3A_30 : vector<2048xf32> to vector<2048x1xf32>
    %eq3A_32 = vector.broadcast %broadcast_in_dim3A_31 : vector<2048x1xf32> to vector<2048x80xf32>
    %eq3A_33 = arith.cmpf oeq, %select_n3A_28, %eq3A_32 : vector<2048x80xf32>
    %jit3A_34 = arith.constant 80 : i32
    %broadcast_in_dim3A_35 = vector.broadcast %jit3A_34 : i32 to vector<2048x80xi32>
    %select_n3A_36 = arith.select %eq3A_33, %iota3A, %broadcast_in_dim3A_35 : vector<2048x80xi1>, vector<2048x80xi32>
    %reduce_min3A_37 = arith.constant dense<2147483647> : vector<2048xi32>
    %reduce_min3A_38 = vector.multi_reduction <minsi>, %select_n3A_36, %reduce_min3A_37 [1] : vector<2048x80xi32> to vector<2048xi32>
    %broadcast_in_dim3A_39 = vector.shape_cast %reduce_min3A_38 : vector<2048xi32> to vector<2048x1xi32>
    %eq3A_40 = vector.broadcast %broadcast_in_dim3A_39 : vector<2048x1xi32> to vector<2048x80xi32>
    %eq3A_41 = arith.cmpi eq, %iota3A, %eq3A_40 : vector<2048x80xi32>
    %jit3A_42 = arith.constant 0x7F800000 : f32
    %broadcast_in_dim3A_43 = vector.broadcast %jit3A_42 : f32 to vector<2048x80xf32>
    %select_n3A_44 = arith.select %eq3A_41, %broadcast_in_dim3A_43, %select_n3A_28 : vector<2048x80xi1>, vector<2048x80xf32>
    %reduce_min3A_45 = arith.constant dense<0x7F800000> : vector<2048xf32>
    %reduce_min3A_46 = vector.multi_reduction <minimumf>, %select_n3A_44, %reduce_min3A_45 [1] : vector<2048x80xf32> to vector<2048xf32>
    %broadcast_in_dim3A_47 = vector.shape_cast %reduce_min3A_46 : vector<2048xf32> to vector<2048x1xf32>
    %eq3A_48 = vector.broadcast %broadcast_in_dim3A_47 : vector<2048x1xf32> to vector<2048x80xf32>
    %eq3A_49 = arith.cmpf oeq, %select_n3A_44, %eq3A_48 : vector<2048x80xf32>
    %jit3A_50 = arith.constant 80 : i32
    %broadcast_in_dim3A_51 = vector.broadcast %jit3A_50 : i32 to vector<2048x80xi32>
    %select_n3A_52 = arith.select %eq3A_49, %iota3A, %broadcast_in_dim3A_51 : vector<2048x80xi1>, vector<2048x80xi32>
    %reduce_min3A_53 = arith.constant dense<2147483647> : vector<2048xi32>
    %reduce_min3A_54 = vector.multi_reduction <minsi>, %select_n3A_52, %reduce_min3A_53 [1] : vector<2048x80xi32> to vector<2048xi32>
    %broadcast_in_dim3A_55 = vector.shape_cast %reduce_min3A_54 : vector<2048xi32> to vector<2048x1xi32>
    %eq3A_56 = vector.broadcast %broadcast_in_dim3A_55 : vector<2048x1xi32> to vector<2048x80xi32>
    %eq3A_57 = arith.cmpi eq, %iota3A, %eq3A_56 : vector<2048x80xi32>
    %jit3A_58 = arith.constant 0x7F800000 : f32
    %broadcast_in_dim3A_59 = vector.broadcast %jit3A_58 : f32 to vector<2048x80xf32>
    %select_n3A_60 = arith.select %eq3A_57, %broadcast_in_dim3A_59, %select_n3A_44 : vector<2048x80xi1>, vector<2048x80xf32>
    %reduce_min3A_61 = arith.constant dense<0x7F800000> : vector<2048xf32>
    %reduce_min3A_62 = vector.multi_reduction <minimumf>, %select_n3A_60, %reduce_min3A_61 [1] : vector<2048x80xf32> to vector<2048xf32>
    %broadcast_in_dim3A_63 = vector.shape_cast %reduce_min3A_62 : vector<2048xf32> to vector<2048x1xf32>
    %concatenate3A = tpu.concatenate %broadcast_in_dim3A, %broadcast_in_dim3A_15, %broadcast_in_dim3A_31, %broadcast_in_dim3A_47, %broadcast_in_dim3A_63 in 1 : vector<2048x1xf32>, vector<2048x1xf32>, vector<2048x1xf32>, vector<2048x1xf32>, vector<2048x1xf32> -> vector<2048x5xf32>
    %max3A = arith.constant 0.000000e+00 : f32
    %max3A_64 = vector.broadcast %max3A : f32 to vector<2048x5xf32>
    %max3A_65 = arith.maximumf %concatenate3A, %max3A_64 : vector<2048x5xf32>
    %gt3A = arith.constant 0.000000e+00 : f32
    %gt3A_66 = vector.broadcast %gt3A : f32 to vector<2048x5xf32>
    %gt3A_67 = arith.cmpf ogt, %max3A_65, %gt3A_66 : vector<2048x5xf32>
    %gt3A_68 = arith.constant 0.000000e+00 : f32
    %gt3A_69 = vector.broadcast %gt3A_68 : f32 to vector<2048x5xf32>
    %gt3A_70 = arith.cmpf ogt, %max3A_65, %gt3A_69 : vector<2048x5xf32>
    %jit3A_71 = arith.constant 1.000000e+00 : f32
    %broadcast_in_dim3A_72 = vector.broadcast %jit3A_71 : f32 to vector<2048x5xf32>
    %select_n3A_73 = arith.select %gt3A_70, %max3A_65, %broadcast_in_dim3A_72 : vector<2048x5xi1>, vector<2048x5xf32>
    %sqrt3A = math.sqrt %select_n3A_73 : vector<2048x5xf32>
    %jit3A_74 = arith.constant 0.000000e+00 : f32
    %broadcast_in_dim3A_75 = vector.broadcast %jit3A_74 : f32 to vector<2048x5xf32>
    %select_n3A_76 = arith.select %gt3A_67, %sqrt3A, %broadcast_in_dim3A_75 : vector<2048x5xi1>, vector<2048x5xf32>
    %reduce_sum3A = vector.shape_cast %select_n3A_76 : vector<2048x5xf32> to vector<1x2048x5xf32>
    %reduce_sum3A_77 = arith.constant dense<0.000000e+00> : vector<1xf32>
    %reduce_sum3A_78 = vector.multi_reduction <add>, %reduce_sum3A, %reduce_sum3A_77 [1, 2] : vector<1x2048x5xf32> to vector<1xf32>
    %reduce_sum3A_79 = vector.shape_cast %reduce_sum3A_78 : vector<1xf32> to vector<1x1x1xf32>
    %reduce_sum3A_80 = vector.extract %reduce_sum3A_79[0, 0, 0] : f32 from vector<1x1x1xf32>
    %div3A = arith.constant 1.024000e+04 : f32
    %div3A_81 = arith.divf %reduce_sum3A_80, %div3A : f32
    %sub3A = vector.broadcast %div3A_81 : f32 to vector<2048x5xf32>
    %sub3A_82 = arith.subf %select_n3A_76, %sub3A : vector<2048x5xf32>
    %mul3A = arith.mulf %sub3A_82, %sub3A_82 : vector<2048x5xf32>
    %reduce_sum3A_83 = vector.shape_cast %mul3A : vector<2048x5xf32> to vector<1x2048x5xf32>
    %reduce_sum3A_84 = arith.constant dense<0.000000e+00> : vector<1xf32>
    %reduce_sum3A_85 = vector.multi_reduction <add>, %reduce_sum3A_83, %reduce_sum3A_84 [1, 2] : vector<1x2048x5xf32> to vector<1xf32>
    %reduce_sum3A_86 = vector.shape_cast %reduce_sum3A_85 : vector<1xf32> to vector<1x1x1xf32>
    %reduce_sum3A_87 = vector.extract %reduce_sum3A_86[0, 0, 0] : f32 from vector<1x1x1xf32>
    %sub3A_88 = arith.constant 1.024000e+04 : f32
    %sub3A_89 = arith.constant 1.000000e+00 : f32
    %sub3A_90 = arith.subf %sub3A_88, %sub3A_89 : f32
    %div3A_91 = arith.divf %reduce_sum3A_87, %sub3A_90 : f32
    %sqrt3A_92 = math.sqrt %div3A_91 : f32
    %neg3A = arith.constant 0.000000e+00 : f32
    %neg3A_93 = arith.subf %neg3A, %sqrt3A_92 : f32
    %broadcast_in_dim3A_94 = vector.broadcast %neg3A_93 : f32 to vector<1x1xf32>
    %swap3A = arith.constant 0 : index
    %swap3A_95 = arith.constant 0 : index
    %swap3A_96 = vector.load %arg1[%swap3A, %swap3A_95] : memref<1x1xf32, #tpu.memory_space<vmem>>, vector<1x1xf32>
    tpu.vector_store %arg1[%swap3A, %swap3A_95], %broadcast_in_dim3A_94 {strides = array<i32>} : memref<1x1xf32, #tpu.memory_space<vmem>>, vector<1x1xf32>,
    return
  }
}

</mosaic_0001>

<sc_bundles>
// kernel: kernel.5.cloned.1.call-start
scs
__scs_entry_jumppad:
0x0: {  	(pc) =	sbr.rel $0x88, $3  }
0x1: {  	(tag) =	ssettag $0x0;
	lr =	simm.s32 $0x1  }
0x2: {  	[smem:$0x3FA0] =	sst lr;
	_ =	strace $0xD0000000  }
0x3: {  	_ = 	snop  }
0x4: {  	_ = 	snop  }
0x5: {  	_ = 	snop  }
0x6: {  	_ = 	snop  }
0x7: {  	_ = 	snop  }
__scs_overlays_trampoline_lowered:
0x8: {  	[smem:$0x3FAF] =	sst s0  }
0x9: {  	[smem:$0x3FB0] =	sst s1  }
0xa: {  	[smem:$0x3FB1] =	sst s2  }
0xb: {  	[smem:$0x3FB2] =	sst s3  }
0xc: {  	[smem:$0x3FB3] =	sst s4  }
0xd: {  	[smem:$0x3FB4] =	sst s5  }
0xe: {  	[smem:$0x3FB5] =	sst s6  }
0xf: {  	[smem:$0x3FB6] =	sst s7  }
0x10: {  	[smem:$0x3FB7] =	sst s8  }
0x11: {  	[smem:$0x3FB8] =	sst s9;
	s0 =	simm.s32 @!p0 $0x0  }
0x12: {  	s1 =	sld [smem:$0x3F9E];
	s0 =	simm.s32 @p0 $0x1  }
0x13: {  	[smem:$0x3FB9] =	sst s0;
	s0 =	simm.s32 @!p1 $0x0  }
0x14: {  	s2 =	sld [smem:$0x3F9D];
	s0 =	simm.s32 @p1 $0x1  }
0x15: {  	[smem:$0x3FBA] =	sst s0;
	s0 =	simm.s32 @!p2 $0x0  }
0x16: {  	s3 =	sld [smem:$0x3FDB];
	s0 =	simm.s32 @p2 $0x1  }
0x17: {  	s4 =	simm.s32 $0x1BF5;
	[smem:$0x3FBC] =	sst s0  }
0x18: {  	s0 =	sld [smem:$0x3F9F];
	_ =	swait.ge [sflag:s4], $0x0  }
0x19: {  	s7 =	sld [smem:$0x3FA0]  }
0x1a: {  	s8 =	sadd.s32 $0xFFFFE003, lr  }
0x1b: {  	s9 =	sadd.s32 $0xFFFFFEF7, lr;
	s5 =	simm.s32 $0xFFFFFFFF;
	p2 =	slt.u32 s8, $0xFFFFF086  }
0x1c: {  	p1 =	slt.u32 s9, $0xF7A;
	s5 =	simm.s32 @!p2 $0x0  }
0x1d: {  	s5 =	simm.s32 @p1 $0x1;
	p0 =	seq.s32 s7, s2  }
0x1e: {  	s7 =	smul.u32 @!p0 $0xF7A, s2;
	p2 =	seq.s32 @!p0 s5, $0x0  }
0x1f: {  	s9 =	smul.u32 $0xF7A, s1;
	s8 =	simm.s32 @!p0 $0x1BF5;
	p2 =	por !p2, p0  }
0x20: {  	[sflag:s8] =	ssyncset.s32 @!p0 $0xFFFFF086;
	s6 =	sadd.s32 @!p0 s3, s7;
	s7 =	simm.s32 @!p0 $0x108  }
0x21: {  	s3 =	sadd.s32 s3, s9;
	s6 =	sadd.s32 @!p0 $0x88, s6;
	s7 =	simm.s32 @p2 $0x1082  }
0x22: {  	[simem:s7], [sflag:s8] =	dma.local @!p0 [hbm:s6], $0xF7A  }
0x23: {  	s9 =	sor.u32 $0xD0000000, s2;
	s6 =	simm.s32 $0x108;
	_ =	swait.ge @!p0 [sflag:s8], $0x0  }
0x24: {  	s3 =	sadd.s32 $0x88, s3;
	s6 =	simm.s32 @!p1 $0x1082;
	[sflag:s4] =	ssyncset.s32 $0xFFFFF086  }
0x25: {  	[simem:s6], [sflag:s4] =	dma.local [hbm:s3], $0xF7A  }
0x26: {  	[smem:$0x3FA0] =	sst s1;
	(tag) =	ssettag s2;
	_ =	strace s9  }
0x27: {  	s1 =	sld [smem:$0x3FB0]  }
0x28: {  	s2 =	sld [smem:$0x3FB1]  }
0x29: {  	s4 =	sld [smem:$0x3FB3]  }
0x2a: {  	p0 =	seq.s32 s5, $0x0;
	s5 =	sld [smem:$0x3FB4]  }
0x2b: {  	s6 =	sld [smem:$0x3FB5]  }
0x2c: {  	s7 =	sld [smem:$0x3FB6]  }
0x2d: {  	s3 =	simm.s32 $0x108;
	s8 =	sld [smem:$0x3FB7]  }
0x2e: {  	s3 =	simm.s32 @!p0 $0x1082;
	s9 =	sld [smem:$0x3FB8]  }
0x2f: {  	lr =	sadd.s32 s0, s3;
	s0 =	sld [smem:$0x3FAF]  }
0x30: {  	s3 =	sld [smem:$0x3FB2]  }
0x31: {  	[smem:$0x3FBB] =	sst s10  }
0x32: {  	s10 =	sld [smem:$0x3FB9];
	_ =	sdelay $0x3  }
0x33: {  	p0 =	seq.s32 s10, $0x1;
	s10 =	sld [smem:$0x3FBB];
	_ =	sdelay $0x3  }
0x34: {  	[smem:$0x3FBB] =	sst s10  }
0x35: {  	s10 =	sld [smem:$0x3FBA];
	_ =	sdelay $0x3  }
0x36: {  	p1 =	seq.s32 s10, $0x1;
	s10 =	sld [smem:$0x3FBB];
	_ =	sdelay $0x3  }
0x37: {  	[smem:$0x3FBB] =	sst s10  }
0x38: {  	s10 =	sld [smem:$0x3FBC]  }
0x39: {  	_ = 	snop;
	(pc) =	sbr.ind lr, $3  }
0x3a: {  	_ = 	snop  }
0x3b: {  	_ = 	snop  }
0x3c: {  	p2 =	seq.s32 s10, $0x1;
	s10 =	sld [smem:$0x3FBB]  }
0x3d: {  	_ =	shalt  }
0x3e: {  	_ =	shalt  }
0x3f: {  	_ =	shalt  }
0x40: {  	_ =	shalt  }
0x41: {  	_ =	shalt  }
0x42: {  	_ =	shalt  }
0x43: {  	_ =	shalt  }
0x44: {  	_ =	shalt  }
0x45: {  	_ =	shalt  }
0x46: {  	_ =	shalt  }
0x47: {  	_ =	shalt  }
0x48: {  	_ =	shalt  }
0x49: {  	_ =	shalt  }
0x4a: {  	_ =	shalt  }
0x4b: {  	_ =	shalt  }
0x4c: {  	_ =	shalt  }
0x4d: {  	_ =	shalt  }
0x4e: {  	_ =	shalt  }
0x4f: {  	_ =	shalt  }
0x50: {  	_ =	shalt  }
0x51: {  	_ =	shalt  }
0x52: {  	_ =	shalt  }
0x53: {  	_ =	shalt  }
0x54: {  	_ =	shalt  }
0x55: {  	_ =	shalt  }
0x56: {  	_ =	shalt  }
0x57: {  	_ =	shalt  }
0x58: {  	_ =	shalt  }
0x59: {  	_ =	shalt  }
0x5a: {  	_ =	shalt  }
0x5b: {  	_ =	shalt  }
0x5c: {  	_ =	shalt  }
0x5d: {  	_ =	shalt  }
0x5e: {  	_ =	shalt  }
0x5f: {  	_ =	shalt  }
0x60: {  	_ =	shalt  }
0x61: {  	_ =	shalt  }
0x62: {  	_ =	shalt  }
0x63: {  	_ =	shalt  }
0x64: {  	_ =	shalt  }
0x65: {  	_ =	shalt  }
0x66: {  	_ =	shalt  }
0x67: {  	_ =	shalt  }
0x68: {  	_ =	shalt  }
0x69: {  	_ =	shalt  }
0x6a: {  	_ =	shalt  }
0x6b: {  	_ =	shalt  }
0x6c: {  	_ =	shalt  }
0x6d: {  	_ =	shalt  }
0x6e: {  	_ =	shalt  }
0x6f: {  	_ =	shalt  }
0x70: {  	_ =	shalt  }
0x71: {  	_ =	shalt  }
0x72: {  	_ =	shalt  }
0x73: {  	_ =	shalt  }
0x74: {  	_ =	shalt  }
0x75: {  	_ =	shalt  }
0x76: {  	_ =	shalt  }
0x77: {  	_ =	shalt  }
0x78: {  	_ =	shalt  }
0x79: {  	_ =	shalt  }
0x7a: {  	_ =	shalt  }
0x7b: {  	_ =	shalt  }
0x7c: {  	_ =	shalt  }
0x7d: {  	_ =	shalt  }
0x7e: {  	_ =	shalt  }
0x7f: {  	_ =	shalt  }
0x80: {  	_ =	shalt  }
0x81: {  	_ =	shalt  }
0x82: {  	_ =	shalt  }
0x83: {  	_ =	shalt  }
0x84: {  	_ =	shalt  }
0x85: {  	_ =	shalt  }
0x86: {  	_ =	shalt  }
0x87: {  	_ =	shalt  }
.Lfunc_end0:
.L_simem_size_0:
called_computation_lowered:
.L_overlay_start_0:
0x88: {  	s2 =	sld [smem:$0x3FD9]  }
0x89: {  	s3 =	sld [smem:$0x3FFE];
	_ =	sdelay $0x1  }
0x8a: {  	s1 =	srdreg.scid  }
0x8b: {  	s0 =	sand.u32 $0x1, s1  }
0x8c: {  	s16 =	sshll.u32 s0, $0xA;
	s2 =	sadd.s32 s3, s2  }
0x8d: {  	s2 =	sadd.s32 s2, s16  }
0x8e: {  	[smem:$0x3FC7] =	sst s2  }
0x8f: {  	_ = 	snop  }
0x90: {  	(tm) =	ssettm $0x1  }
0x91: {  	s17 =	sld [smem:$0x3FFB];
	_ =	sdelay $0x3  }
0x92: {  	_ =	strace s17  }
0x93: {  	s2 =	sld [smem:$0x3FFC];
	_ =	sdelay $0x3  }
0x94: {  	_ =	strace s2  }
0x95: {  	s2 =	sld [smem:$0x3FFD];
	_ =	sdelay $0x3  }
0x96: {  	_ =	strace s2  }
0x97: {  	_ =	strace $0x8FFFFFFF  }
0x98: {  	s18 =	sld [smem:$0x3FDB];
	_ =	sdelay $0x1  }
0x99: {  	s19 =	simm.s32 $_scs_section_size  }
0x9a: {  	s4 =	simm.s32 $_size__tile_overlayer_lowered;
	s5 =	simm.s32 $_tile_overlayer_lowered  }
0x9b: {  	s22 =	simm.s32 $0x1BFF;
	s21 =	sshll.u32 s5, $0x1;
	s2 =	sadd.s32 s19, s18  }
0x9c: {  	s6 =	simm.s32 $0x0;
	s20 =	sshll.u32 s4, $0x1;
	s4 =	sadd.s32 s21, s2  }
0x9d: {  	[timem:s6], [sflag:s22] =	dma.local [hbm:s4], s20  }
0x9e: {  	_ =	swait.ge [sflag:s22], s20  }
0x9f: {  	s3 =	ssub.s32 $0x0, s20;
	[sflag:s22] =	ssyncset.done $0x0  }
0xa0: {  	[sflag:s22] =	ssyncadd.s32 s3;
	_ =	sdelay $0x1  }
0xa1: {  	s23 =	simm.s32 $0x1B8B  }
0xa2: {  	_ =	swait.ge [sflag:s23], $0x1  }
0xa3: {  	[sflag:s23] =	ssyncset.done $0x0  }
0xa4: {  	s25 =	simm.s32 $0x1B8E;
	s24 =	sld [smem:$0x3FFE];
	[sflag:s23] =	ssyncadd.s32 $0xFFFFFFFF  }
0xa5: {  	s26 =	simm.s32 $execute0_lowered;
	[smem:$0x3FD2] =	sst s25  }
0xa6: {  	s4 =	sshll.u32 s26, $0x1;
	_ =	strace $0x80000046;
	[dreg:$0x1] =	wrdreg $0xFFFFFFFF  }
0xa7: {  	s28 =	simm.s32 $_size_execute0_lowered;
	s2 =	sadd.s32 s2, s4;
	[dreg:$0x0] =	wrdreg $0x0  }
0xa8: {  	s4 =	sshll.u32 s28, $0x1;
	[dreg:$0x2] =	wrdreg s2  }
0xa9: {  	[dreg:$0x3] =	wrdreg s4  }
0xaa: {  	[dreg:$0x4] =	wrdreg $0xC0  }
0xab: {  	_ =	task [dreg:s6], $0x5FFFF  }
0xac: {  	[dreg:$0x1] =	wrdreg $0xFFFFFFFF  }
0xad: {  	[dreg:$0x0] =	wrdreg $0x60  }
0xae: {  	[dreg:$0x2] =	wrdreg s24  }
0xaf: {  	[dreg:$0x3] =	wrdreg $0x9  }
0xb0: {  	_ =	task.clear_ibuf [dreg:s6], $0x4FFFF;
	_ =	strace $0x90000046  }
0xb1: {  	s29 =	simm.s32 $0x9;
	_ =	strace $0x80000048  }
0xb2: {  	_ =	swait.ge [sflag:s29], $0x1  }
0xb3: {  	[sflag:s29] =	ssyncadd.s32 $0xFFFFFFFF  }
0xb4: {  	_ =	strace $0x90000048  }
0xb5: {  	_ =	sfence  }
0xb6: {  	s30 =	sld [smem:$0x0];
	_ =	sdelay $0x2  }
0xb7: {  	s31 =	sshll.u32 s1, $0xD;
	s1 =	sshrl.u32 s1, $0x2  }
0xb8: {  	s3 =	sand.u32 $0x4000, s31;
	s1 =	sadd.s32 s1, s30  }
0xb9: {  	s0 =	sor.u32 s3, s0;
	s1 =	sshll.u32 s1, $0x11  }
0xba: {  	s0 =	sor.u32 s1, s0  }
0xbb: {  	s0 =	sadd.s32 $0x8F2B, s0  }
0xbc: {  	[sflag:s0] =	ssyncadd.remote.s32 $0x1  }
0xbd: {  	_ =	sfence.sel $0xFFFF  }
0xbe: {  	[dreg:$0x0] =	wrdreg $0xFFFFFFFF;
	(pc) =	sbr.abs _section_cstart, $3  }
0xbf: {  	[dreg:$0x1] =	wrdreg $0xFFFFFFFF  }
0xc0: {  	_ =	task.clear_ibuf [dreg:s6], $0x2FFFF;
	_ =	strace $0x9FFFFFFF  }
0xc1: {  	(tm) =	ssettm $0x7FFFFFFF  }
tec
execute0_lowered:
.L_overlay_start_1:
0x0: {  	(tag) =	ssettag $0x1  }
0x1: {  	s1 =	srdreg.scid;
	s0 =	stileid.u32  }
0x2: {  	s4 =	rddreg [dreg:$0x0];
	s2 =	simm.s32 $0x0;
	s11 =	simm.s32 $0x800  }
0x3: {  	s12 =	simm.s32 $0x8800;
	s13 =	simm.s32 $0x1;
	s14 =	simm.s32 $0x2  }
0x4: {  	s15 =	simm.s32 $0x10800;
	s16 =	simm.s32 $0x0;
	s3 =	sand.u32 $0x1, s1  }
0x5: {  	s5 =	sshll.u32 s0, $0x7;
	[smem:$0x7FF] =	sst s2;
	s6 =	sshll.u32 s3, $0x6  }
0x6: {  	s1 =	rddreg [dreg:$0x1];
	_ =	strace $0x80000047;
	s5 =	sor.u32 s6, s5  }
0x7: {  	s31 =	ssub.s32 $0x2, s3;
	s3 =	sadd.s32 $0x80A00, s4;
	s6 =	sshll.u32 s5, $0x8  }
0x8: {  	s8 =	sshrl.u32 s31, $0x1;
	s5 =	sshll.u32 s5, $0x4;
	s7 =	sadd.s32 s6, s4  }
0x9: {  	s10 =	ssub.s32 s31, s8;
	s9 =	sadd.s32 s5, s4;
	s4 =	sadd.s32 $0xA00, s7  }
0xa: {  	s5 =	sadd.s32 $0x1A00, s7;
	s6 =	sadd.s32 $0x2A00, s7;
	s7 =	sadd.s32 $0x3A00, s7  }
0xb: {  	s8 =	sadd.s32 $0x80C00, s9;
	s9 =	smax.u32 s10, $0x1;
	s10 =	simm.s32 $0x3  }
.LBB2_1:
0xc: {  	[tilespmem:s2], [sflag:$0x3] =	stream.linear.gather [hbm4b:s3+s2], $0x800, $0x38;
	[tilespmem:$0x12800] =	vst v63  }
0xd: {  	_ =	swait.ge [sflag:s10], $0x800  }
0xe: {  	[sflag:s10] =	ssyncset.done $0x0  }
0xf: {  	[sflag:s10] =	ssyncadd.s32 $0xFFFFF800  }
0x10: {  	[tilespmem:s11], [sflag:$0x1] =	stream.linear.gather [hbm4b:s4+s2], $0x8000, $0x38;
	[tilespmem:$0x12800] =	vst v63  }
0x11: {  	_ = 	snop  }
0x12: {  	[tilespmem:s12], [sflag:$0x2] =	stream.linear.gather [hbm4b:s5+s2], $0x8000, $0x38;
	[tilespmem:$0x12800] =	vst v63  }
0x13: {  	_ =	swait.ge [sflag:s13], $0x8000  }
0x14: {  	[sflag:s13] =	ssyncset.done $0x0  }
0x15: {  	s17 =	simm.s32 $0x0;
	[sflag:s13] =	ssyncadd.s32 $0xFFFF8000  }
.LBB2_2:
0x16: {  	s18 =	sshll.u32 s17, $0x9;
	s19 =	sshll.u32 s17, $0xD  }
0x17: {  	s19 =	sand.u32 $0x4000, s19;
	s20 =	sand.u32 $0x200, s18  }
0x18: {  	s30 =	simm.s32 $0x0;
	s19 =	sor.u32 s20, s19  }
0x19: {  	s21 =	sand.u32 $0x3C00, s30;
	s19 =	sor.u32 $0x800, s19  }
0x1a: {  	s22 =	sand.u32 $0x70, s30;
	s21 =	sadd.s32 s21, s19  }
0x1b: {  	v18 =	vimm.f32 $+Inf;
	v0 =	vld [tilespmem:s30+$0x0];
	s31 =	sadd.s32 s22, s21  }
0x1c: {  	v21 =	vimm.f32 $+Inf;
	v35 =	vimm.f32 $+Inf;
	v27 =	vimm.f32 $+Inf;
	v1 =	vld [tilespmem:s31+$0x180]  }
0x1d: {  	v30 =	vimm.f32 $+Inf;
	v22 =	vimm.f32 $+Inf;
	v23 =	vimm.f32 $+Inf;
	v2 =	vld [tilespmem:s31+$0x0]  }
0x1e: {  	v19 =	vimm.f32 $+Inf;
	v29 =	vimm.f32 $+Inf;
	v31 =	vimm.f32 $+Inf;
	v3 =	vld [tilespmem:s31+$0x80]  }
0x1f: {  	v28 =	vimm.f32 $+Inf;
	v13 =	vimm.f32 $+Inf;
	v25 =	vimm.f32 $+Inf;
	v6 =	vld [tilespmem:s31+$0x100]  }
0x20: {  	v20 =	vimm.f32 $+Inf;
	v16 =	vimm.f32 $+Inf;
	v32 =	vimm.f32 $+Inf  }
0x21: {  	v24 =	vimm.f32 $+Inf;
	v14 =	vimm.f32 $+Inf;
	v26 =	vimm.f32 $+Inf  }
0x22: {  	v17 =	vimm.f32 $+Inf;
	v15 =	vimm.f32 $+Inf;
	v5 =	vadd.f32 v1, v0  }
0x23: {  	v12 =	vimm.f32 $+Inf;
	v10 =	vimm.f32 $+Inf;
	v1 =	vadd.f32 v2, v0  }
0x24: {  	v8 =	vadd.f32 v3, v0;
	v34 =	vadd.f32 v6, v0;
	v4 =	vmax.f32 v18, v5  }
0x25: {  	v11 =	vimm.f32 $+Inf;
	v7 =	vmin.f32 v18, v1;
	v3 =	vmax.f32 v18, v4  }
0x26: {  	v6 =	vmin.f32 v18, v8;
	v0 =	vmin.f32 v18, v34;
	v2 =	vmax.f32 v18, v3  }
0x27: {  	s23 =	simm.s32 $0x10;
	s20 =	simm.s32 $0x80;
	v37 =	vmax.f32 v18, v1;
	v36 =	vmax.f32 v18, v8;
	v9 =	vmax.f32 v18, v2  }
0x28: {  	s24 =	sand.u32 $0x3C00, s20;
	s22 =	simm.s32 $0x20;
	s21 =	simm.s32 $0x10;
	v8 =	vimm.f32 $+Inf;
	v33 =	vmovc v7;
	v1 =	vmin.f32 v18, v9;
	v9 =	vimm.f32 $+Inf  }
.LBB2_3:
0x29: {  	p0 =	sne.s32 s22, $0x7F0;
	s23 =	sand.u32 $0x70, s23;
	s24 =	sadd.s32 s24, s19;
	v18 =	vmin.f32 v18, v37;
	v21 =	vmin.f32 v21, v36;
	v34 =	vmax.f32 v35, v34;
	v38 =	vmovc v6  }
0x2a: {  	v35 =	vmax.f32 v27, v37;
	v36 =	vmax.f32 v30, v36;
	v39 =	vld [tilespmem:s21+$0x0];
	s24 =	sadd.s32 s23, s24;
	v22 =	vmin.f32 v22, v34;
	v27 =	vmovc v18;
	s23 =	smov.u32 s22  }
0x2b: {  	v23 =	vmin.f32 v23, v35;
	v19 =	vmin.f32 v19, v36;
	v34 =	vmax.f32 v29, v34;
	v30 =	vmovc v21;
	v37 =	vld [tilespmem:s24+$0x180]  }
0x2c: {  	v35 =	vmax.f32 v31, v35;
	v41 =	vmax.f32 v28, v36;
	v13 =	vmin.f32 v13, v34;
	v29 =	vmovc v22;
	v40 =	vld [tilespmem:s24+$0x0]  }
0x2d: {  	v25 =	vmin.f32 v25, v35;
	v20 =	vmin.f32 v20, v41;
	v42 =	vmax.f32 v16, v34;
	v31 =	vmovc v23;
	v36 =	vld [tilespmem:s24+$0x80]  }
0x2e: {  	v35 =	vmax.f32 v32, v35;
	v41 =	vmax.f32 v24, v41;
	v28 =	vmovc v19;
	v14 =	vmin.f32 v14, v42;
	v34 =	vld [tilespmem:s24+$0x100]  }
0x2f: {  	v26 =	vmin.f32 v26, v35;
	v17 =	vmin.f32 v17, v41;
	v41 =	vmax.f32 v15, v42;
	v16 =	vmovc v13  }
0x30: {  	v32 =	vmovc v25;
	v24 =	vmovc v20;
	v12 =	vmin.f32 v12, v41;
	v15 =	vmov v14;
	v37 =	vadd.f32 v37, v39  }
0x31: {  	v10 =	vmin.f32 v10, v5;
	v35 =	vmov v0;
	v40 =	vadd.f32 v40, v39  }
.Ltmp0:
0x32: {  	v11 =	vmin.f32 v11, v4;
	v36 =	vadd.f32 v36, v39;
	v4 =	vmax.f32 v10, v37;
	v5 =	vmovc v37;
	(pc) =	sbr.rel @p0 .LBB2_3-.Ltmp0, $4  }
0x33: {  	v9 =	vmin.f32 v9, v3;
	v34 =	vadd.f32 v34, v39;
	v3 =	vmax.f32 v11, v4  }
0x34: {  	v8 =	vmin.f32 v8, v2;
	v7 =	vmin.f32 v7, v40;
	v2 =	vmax.f32 v9, v3  }
0x35: {  	s20 =	sadd.s32 $0x80, s20;
	v6 =	vmin.f32 v6, v36;
	v0 =	vmin.f32 v0, v34;
	v39 =	vmax.f32 v8, v2  }
0x36: {  	s22 =	sadd.s32 $0x10, s22;
	s21 =	sadd.s32 $0x10, s21;
	s24 =	sand.u32 $0x3C00, s20;
	v37 =	vmax.f32 v33, v40;
	v36 =	vmax.f32 v38, v36;
	v33 =	vmovc v7;
	v1 =	vmin.f32 v1, v39  }
0x37: {  	s20 =	sand.u32 $0x70, s23;
	s19 =	sadd.s32 s24, s19  }
0x38: {  	v38 =	vld [tilespmem:s21+$0x0];
	s19 =	sadd.s32 s20, s19  }
0x39: {  	v39 =	vld [tilespmem:s19+$0x0]  }
0x3a: {  	v56 =	vld [tilespmem:s19+$0x80];
	_ =	sdelay $0x1  }
0x3b: {  	v18 =	vmin.f32 v18, v37;
	v34 =	vmax.f32 v35, v34;
	v62 =	vld [tilespmem:s19+$0x180]  }
0x3c: {  	v27 =	vmax.f32 v27, v37;
	v21 =	vmin.f32 v21, v36;
	v30 =	vmax.f32 v30, v36  }
0x3d: {  	v5 =	vmin.f32 v10, v5;
	v4 =	vmin.f32 v11, v4;
	v39 =	vadd.f32 v39, v38  }
0x3e: {  	v3 =	vmin.f32 v9, v3;
	v2 =	vmin.f32 v8, v2;
	v59 =	vld [tilespmem:s19+$0x100];
	v60 =	vadd.f32 v56, v38  }
0x3f: {  	s18 =	sand.u32 $0x3FFFFE00, s18;
	v22 =	vmin.f32 v22, v34;
	v23 =	vmin.f32 v23, v27;
	v7 =	vmin.f32 v7, v39  }
0x40: {  	v47 =	vadd.f32 v62, v38;
	v33 =	vmax.f32 v33, v39;
	v50 =	vmin.f32 v6, v60;
	[tilespmem:s18+$0x10840] =	vst v7  }
0x41: {  	v63 =	vmax.f32 v6, v60;
	v57 =	vmax.f32 v18, v33;
	v18 =	vmin.f32 v18, v33;
	[tilespmem:s18+$0x108C0] =	vst v50  }
0x42: {  	v29 =	vmax.f32 v29, v34;
	v53 =	vmax.f32 v5, v47;
	v48 =	vmin.f32 v21, v63;
	[tilespmem:s18+$0x10830] =	vst v18  }
0x43: {  	v27 =	vmax.f32 v31, v27;
	v40 =	vadd.f32 v59, v38;
	v62 =	vmin.f32 v4, v53;
	[tilespmem:s18+$0x108B0] =	vst v48  }
0x44: {  	v19 =	vmin.f32 v19, v30;
	v36 =	vmax.f32 v21, v63;
	v63 =	vmin.f32 v5, v47;
	[tilespmem:s18+$0x109B0] =	vst v62  }
0x45: {  	v43 =	vmax.f32 v0, v40;
	v58 =	vmax.f32 v23, v57;
	v23 =	vmin.f32 v23, v57;
	[tilespmem:s18+$0x109C0] =	vst v63  }
0x46: {  	v13 =	vmin.f32 v13, v29;
	v46 =	vmax.f32 v22, v43;
	v45 =	vmin.f32 v19, v36;
	[tilespmem:s18+$0x10820] =	vst v23  }
0x47: {  	v28 =	vmax.f32 v28, v30;
	v25 =	vmin.f32 v25, v27;
	v55 =	vmin.f32 v13, v46;
	[tilespmem:s18+$0x108A0] =	vst v45  }
0x48: {  	v20 =	vmin.f32 v20, v28;
	v16 =	vmax.f32 v16, v29;
	v57 =	vmin.f32 v22, v43;
	[tilespmem:s18+$0x10920] =	vst v55  }
0x49: {  	v37 =	vmax.f32 v19, v36;
	v61 =	vmax.f32 v25, v58;
	v25 =	vmin.f32 v25, v58;
	[tilespmem:s18+$0x10930] =	vst v57  }
0x4a: {  	v42 =	vmin.f32 v14, v16;
	v49 =	vmax.f32 v13, v46;
	v44 =	vmin.f32 v20, v37;
	[tilespmem:s18+$0x10810] =	vst v25  }
0x4b: {  	v27 =	vmax.f32 v32, v27;
	v54 =	vmax.f32 v4, v53;
	v7 =	vmin.f32 v42, v49;
	[tilespmem:s18+$0x10890] =	vst v44  }
0x4c: {  	v24 =	vmax.f32 v24, v28;
	v56 =	vmax.f32 v3, v54;
	v58 =	vmin.f32 v0, v40;
	[tilespmem:s18+$0x10910] =	vst v7  }
0x4d: {  	s17 =	sadd.s32 $0x1, s17;
	v26 =	vmin.f32 v26, v27;
	v17 =	vmin.f32 v17, v24;
	v60 =	vmin.f32 v2, v56;
	[tilespmem:s18+$0x10940] =	vst v58  }
0x4e: {  	p0 =	sne.s32 s17, $0x4;
	v15 =	vmax.f32 v15, v16;
	v41 =	vmax.f32 v20, v37;
	v26 =	vmin.f32 v26, v61;
	[tilespmem:s18+$0x10990] =	vst v60  }
.Ltmp1:
0x4f: {  	v12 =	vmin.f32 v12, v15;
	v51 =	vmax.f32 v42, v49;
	v17 =	vmin.f32 v17, v41;
	[tilespmem:s18+$0x10800] =	vst v26;
	(pc) =	sbr.rel @p0 .LBB2_2-.Ltmp1, $4  }
0x50: {  	v59 =	vmax.f32 v2, v56;
	v52 =	vmin.f32 v12, v51;
	[tilespmem:s18+$0x10880] =	vst v17  }
0x51: {  	v1 =	vmin.f32 v1, v59;
	[tilespmem:s18+$0x10900] =	vst v52  }
0x52: {  	v61 =	vmin.f32 v3, v54;
	[tilespmem:s18+$0x10980] =	vst v1  }
0x53: {  	[tilespmem:s18+$0x109A0] =	vst v61  }
0x54: {  	s17 =	simm.s32 $0x0  }
0x55: {  	[tilespmem:s11], [sflag:$0x1] =	stream.linear.gather [hbm4b:s6+s17], $0x8000, $0x38;
	[tilespmem:$0x12800] =	vst v63  }
0x56: {  	_ =	swait.ge [sflag:s14], $0x8000  }
0x57: {  	[sflag:s14] =	ssyncset.done $0x0  }
0x58: {  	s18 =	simm.s32 $0x0;
	[sflag:s14] =	ssyncadd.s32 $0xFFFF8000  }
.LBB2_6:
0x59: {  	s19 =	sshll.u32 s18, $0x9;
	s20 =	sshll.u32 s18, $0xD  }
0x5a: {  	s20 =	sand.u32 $0x4000, s20;
	s21 =	sand.u32 $0x200, s19  }
0x5b: {  	s20 =	sor.u32 s21, s20  }
0x5c: {  	s31 =	sand.u32 $0x3C00, s17;
	s20 =	sor.u32 $0x8800, s20  }
0x5d: {  	s22 =	sand.u32 $0x70, s17;
	s21 =	sadd.s32 s31, s20  }
0x5e: {  	v0 =	vld [tilespmem:s17+$0x0];
	v18 =	vimm.f32 $+Inf;
	s21 =	sadd.s32 s22, s21  }
0x5f: {  	v21 =	vimm.f32 $+Inf;
	v35 =	vimm.f32 $+Inf;
	v27 =	vimm.f32 $+Inf;
	v1 =	vld [tilespmem:s21+$0x180]  }
0x60: {  	v30 =	vimm.f32 $+Inf;
	v22 =	vimm.f32 $+Inf;
	v23 =	vimm.f32 $+Inf;
	v2 =	vld [tilespmem:s21+$0x0]  }
0x61: {  	v19 =	vimm.f32 $+Inf;
	v29 =	vimm.f32 $+Inf;
	v31 =	vimm.f32 $+Inf;
	v3 =	vld [tilespmem:s21+$0x80]  }
0x62: {  	v28 =	vimm.f32 $+Inf;
	v13 =	vimm.f32 $+Inf;
	v25 =	vimm.f32 $+Inf;
	v6 =	vld [tilespmem:s21+$0x100]  }
0x63: {  	v20 =	vimm.f32 $+Inf;
	v16 =	vimm.f32 $+Inf;
	v32 =	vimm.f32 $+Inf  }
0x64: {  	v24 =	vimm.f32 $+Inf;
	v14 =	vimm.f32 $+Inf;
	v26 =	vimm.f32 $+Inf  }
0x65: {  	v17 =	vimm.f32 $+Inf;
	v15 =	vimm.f32 $+Inf;
	v5 =	vadd.f32 v1, v0  }
0x66: {  	v12 =	vimm.f32 $+Inf;
	v10 =	vimm.f32 $+Inf;
	v1 =	vadd.f32 v2, v0  }
0x67: {  	v8 =	vadd.f32 v3, v0;
	v34 =	vadd.f32 v6, v0;
	v4 =	vmax.f32 v18, v5  }
0x68: {  	v11 =	vimm.f32 $+Inf;
	v7 =	vmin.f32 v18, v1;
	v3 =	vmax.f32 v18, v4  }
0x69: {  	v6 =	vmin.f32 v18, v8;
	v0 =	vmin.f32 v18, v34;
	v2 =	vmax.f32 v18, v3  }
0x6a: {  	s24 =	simm.s32 $0x10;
	s21 =	simm.s32 $0x80;
	v37 =	vmax.f32 v18, v1;
	v36 =	vmax.f32 v18, v8;
	v9 =	vmax.f32 v18, v2  }
0x6b: {  	s23 =	simm.s32 $0x20;
	s22 =	simm.s32 $0x10;
	s25 =	sand.u32 $0x3C00, s21;
	v8 =	vimm.f32 $+Inf;
	v33 =	vmovc v7;
	v1 =	vmin.f32 v18, v9;
	v9 =	vimm.f32 $+Inf  }
.LBB2_7:
0x6c: {  	p0 =	sne.s32 s23, $0x7F0;
	s24 =	sand.u32 $0x70, s24;
	s25 =	sadd.s32 s25, s20;
	v18 =	vmin.f32 v18, v37;
	v21 =	vmin.f32 v21, v36;
	v34 =	vmax.f32 v35, v34;
	v38 =	vmovc v6  }
0x6d: {  	v35 =	vmax.f32 v27, v37;
	v36 =	vmax.f32 v30, v36;
	v39 =	vld [tilespmem:s22+$0x0];
	s25 =	sadd.s32 s24, s25;
	v22 =	vmin.f32 v22, v34;
	v27 =	vmovc v18;
	s24 =	smov.u32 s23  }
0x6e: {  	v23 =	vmin.f32 v23, v35;
	v19 =	vmin.f32 v19, v36;
	v34 =	vmax.f32 v29, v34;
	v30 =	vmovc v21;
	v37 =	vld [tilespmem:s25+$0x180]  }
0x6f: {  	v35 =	vmax.f32 v31, v35;
	v41 =	vmax.f32 v28, v36;
	v13 =	vmin.f32 v13, v34;
	v29 =	vmovc v22;
	v40 =	vld [tilespmem:s25+$0x0]  }
0x70: {  	v25 =	vmin.f32 v25, v35;
	v20 =	vmin.f32 v20, v41;
	v42 =	vmax.f32 v16, v34;
	v31 =	vmovc v23;
	v36 =	vld [tilespmem:s25+$0x80]  }
0x71: {  	v35 =	vmax.f32 v32, v35;
	v41 =	vmax.f32 v24, v41;
	v28 =	vmovc v19;
	v14 =	vmin.f32 v14, v42;
	v34 =	vld [tilespmem:s25+$0x100]  }
0x72: {  	v26 =	vmin.f32 v26, v35;
	v17 =	vmin.f32 v17, v41;
	v41 =	vmax.f32 v15, v42;
	v16 =	vmovc v13  }
0x73: {  	v32 =	vmovc v25;
	v24 =	vmovc v20;
	v12 =	vmin.f32 v12, v41;
	v15 =	vmov v14;
	v37 =	vadd.f32 v37, v39  }
0x74: {  	v10 =	vmin.f32 v10, v5;
	v35 =	vmov v0;
	v40 =	vadd.f32 v40, v39  }
.Ltmp2:
0x75: {  	v11 =	vmin.f32 v11, v4;
	v36 =	vadd.f32 v36, v39;
	v4 =	vmax.f32 v10, v37;
	v5 =	vmovc v37;
	(pc) =	sbr.rel @p0 .LBB2_7-.Ltmp2, $4  }
0x76: {  	v9 =	vmin.f32 v9, v3;
	v34 =	vadd.f32 v34, v39;
	v3 =	vmax.f32 v11, v4  }
0x77: {  	v8 =	vmin.f32 v8, v2;
	v7 =	vmin.f32 v7, v40;
	v2 =	vmax.f32 v9, v3  }
0x78: {  	s21 =	sadd.s32 $0x80, s21;
	v6 =	vmin.f32 v6, v36;
	v0 =	vmin.f32 v0, v34;
	v39 =	vmax.f32 v8, v2  }
0x79: {  	s23 =	sadd.s32 $0x10, s23;
	s22 =	sadd.s32 $0x10, s22;
	s25 =	sand.u32 $0x3C00, s21;
	v37 =	vmax.f32 v33, v40;
	v36 =	vmax.f32 v38, v36;
	v33 =	vmovc v7;
	v1 =	vmin.f32 v1, v39  }
0x7a: {  	s21 =	sand.u32 $0x70, s24;
	s20 =	sadd.s32 s25, s20  }
0x7b: {  	v38 =	vld [tilespmem:s22+$0x0];
	s20 =	sadd.s32 s21, s20  }
0x7c: {  	v39 =	vld [tilespmem:s20+$0x0]  }
0x7d: {  	v56 =	vld [tilespmem:s20+$0x80];
	_ =	sdelay $0x1  }
0x7e: {  	v18 =	vmin.f32 v18, v37;
	v34 =	vmax.f32 v35, v34;
	v62 =	vld [tilespmem:s20+$0x180]  }
0x7f: {  	v27 =	vmax.f32 v27, v37;
	v21 =	vmin.f32 v21, v36;
	v30 =	vmax.f32 v30, v36  }
0x80: {  	v5 =	vmin.f32 v10, v5;
	v4 =	vmin.f32 v11, v4;
	v39 =	vadd.f32 v39, v38  }
0x81: {  	v3 =	vmin.f32 v9, v3;
	v2 =	vmin.f32 v8, v2;
	v59 =	vld [tilespmem:s20+$0x100];
	v60 =	vadd.f32 v56, v38  }
0x82: {  	s19 =	sand.u32 $0x3FFFFE00, s19;
	v22 =	vmin.f32 v22, v34;
	v23 =	vmin.f32 v23, v27;
	v7 =	vmin.f32 v7, v39  }
0x83: {  	v47 =	vadd.f32 v62, v38;
	v33 =	vmax.f32 v33, v39;
	v50 =	vmin.f32 v6, v60;
	[tilespmem:s19+$0x11040] =	vst v7  }
0x84: {  	v63 =	vmax.f32 v6, v60;
	v57 =	vmax.f32 v18, v33;
	v18 =	vmin.f32 v18, v33;
	[tilespmem:s19+$0x110C0] =	vst v50  }
0x85: {  	v29 =	vmax.f32 v29, v34;
	v53 =	vmax.f32 v5, v47;
	v48 =	vmin.f32 v21, v63;
	[tilespmem:s19+$0x11030] =	vst v18  }
0x86: {  	v27 =	vmax.f32 v31, v27;
	v40 =	vadd.f32 v59, v38;
	v62 =	vmin.f32 v4, v53;
	[tilespmem:s19+$0x110B0] =	vst v48  }
0x87: {  	v19 =	vmin.f32 v19, v30;
	v36 =	vmax.f32 v21, v63;
	v63 =	vmin.f32 v5, v47;
	[tilespmem:s19+$0x111B0] =	vst v62  }
0x88: {  	v43 =	vmax.f32 v0, v40;
	v58 =	vmax.f32 v23, v57;
	v23 =	vmin.f32 v23, v57;
	[tilespmem:s19+$0x111C0] =	vst v63  }
0x89: {  	v13 =	vmin.f32 v13, v29;
	v46 =	vmax.f32 v22, v43;
	v45 =	vmin.f32 v19, v36;
	[tilespmem:s19+$0x11020] =	vst v23  }
0x8a: {  	v28 =	vmax.f32 v28, v30;
	v25 =	vmin.f32 v25, v27;
	v55 =	vmin.f32 v13, v46;
	[tilespmem:s19+$0x110A0] =	vst v45  }
0x8b: {  	v20 =	vmin.f32 v20, v28;
	v16 =	vmax.f32 v16, v29;
	v57 =	vmin.f32 v22, v43;
	[tilespmem:s19+$0x11120] =	vst v55  }
0x8c: {  	v37 =	vmax.f32 v19, v36;
	v61 =	vmax.f32 v25, v58;
	v25 =	vmin.f32 v25, v58;
	[tilespmem:s19+$0x11130] =	vst v57  }
0x8d: {  	v42 =	vmin.f32 v14, v16;
	v49 =	vmax.f32 v13, v46;
	v44 =	vmin.f32 v20, v37;
	[tilespmem:s19+$0x11010] =	vst v25  }
0x8e: {  	v27 =	vmax.f32 v32, v27;
	v54 =	vmax.f32 v4, v53;
	v7 =	vmin.f32 v42, v49;
	[tilespmem:s19+$0x11090] =	vst v44  }
0x8f: {  	v24 =	vmax.f32 v24, v28;
	v56 =	vmax.f32 v3, v54;
	v58 =	vmin.f32 v0, v40;
	[tilespmem:s19+$0x11110] =	vst v7  }
0x90: {  	s18 =	sadd.s32 $0x1, s18;
	v26 =	vmin.f32 v26, v27;
	v17 =	vmin.f32 v17, v24;
	v60 =	vmin.f32 v2, v56;
	[tilespmem:s19+$0x11140] =	vst v58  }
0x91: {  	p0 =	sne.s32 s18, $0x4;
	v15 =	vmax.f32 v15, v16;
	v41 =	vmax.f32 v20, v37;
	v26 =	vmin.f32 v26, v61;
	[tilespmem:s19+$0x11190] =	vst v60  }
.Ltmp3:
0x92: {  	v12 =	vmin.f32 v12, v15;
	v51 =	vmax.f32 v42, v49;
	v17 =	vmin.f32 v17, v41;
	[tilespmem:s19+$0x11000] =	vst v26;
	(pc) =	sbr.rel @p0 .LBB2_6-.Ltmp3, $4  }
0x93: {  	v59 =	vmax.f32 v2, v56;
	v52 =	vmin.f32 v12, v51;
	[tilespmem:s19+$0x11080] =	vst v17  }
0x94: {  	v1 =	vmin.f32 v1, v59;
	[tilespmem:s19+$0x11100] =	vst v52  }
0x95: {  	v61 =	vmin.f32 v3, v54;
	[tilespmem:s19+$0x11180] =	vst v1  }
0x96: {  	[tilespmem:s19+$0x111A0] =	vst v61  }
0x97: {  	s17 =	simm.s32 $0x0  }
0x98: {  	[tilespmem:s12], [sflag:$0x2] =	stream.linear.gather [hbm4b:s7+s17], $0x8000, $0x38;
	[tilespmem:$0x12800] =	vst v63  }
0x99: {  	_ =	swait.ge [sflag:s13], $0x8000  }
0x9a: {  	[sflag:s13] =	ssyncset.done $0x0  }
0x9b: {  	s18 =	simm.s32 $0x0;
	[sflag:s13] =	ssyncadd.s32 $0xFFFF8000  }
.LBB2_10:
0x9c: {  	s19 =	sshll.u32 s18, $0x9;
	s20 =	sshll.u32 s18, $0xD  }
0x9d: {  	s20 =	sand.u32 $0x4000, s20;
	s21 =	sand.u32 $0x200, s19  }
0x9e: {  	s20 =	sor.u32 s21, s20  }
0x9f: {  	s31 =	sand.u32 $0x3C00, s17;
	s20 =	sor.u32 $0x800, s20  }
0xa0: {  	s22 =	sand.u32 $0x70, s17;
	s21 =	sadd.s32 s31, s20  }
0xa1: {  	v0 =	vld [tilespmem:s17+$0x0];
	v18 =	vimm.f32 $+Inf;
	s21 =	sadd.s32 s22, s21  }
0xa2: {  	v21 =	vimm.f32 $+Inf;
	v35 =	vimm.f32 $+Inf;
	v27 =	vimm.f32 $+Inf;
	v1 =	vld [tilespmem:s21+$0x180]  }
0xa3: {  	v30 =	vimm.f32 $+Inf;
	v22 =	vimm.f32 $+Inf;
	v23 =	vimm.f32 $+Inf;
	v2 =	vld [tilespmem:s21+$0x0]  }
0xa4: {  	v19 =	vimm.f32 $+Inf;
	v29 =	vimm.f32 $+Inf;
	v31 =	vimm.f32 $+Inf;
	v3 =	vld [tilespmem:s21+$0x80]  }
0xa5: {  	v28 =	vimm.f32 $+Inf;
	v13 =	vimm.f32 $+Inf;
	v25 =	vimm.f32 $+Inf;
	v6 =	vld [tilespmem:s21+$0x100]  }
0xa6: {  	v20 =	vimm.f32 $+Inf;
	v16 =	vimm.f32 $+Inf;
	v32 =	vimm.f32 $+Inf  }
0xa7: {  	v24 =	vimm.f32 $+Inf;
	v14 =	vimm.f32 $+Inf;
	v26 =	vimm.f32 $+Inf  }
0xa8: {  	v17 =	vimm.f32 $+Inf;
	v15 =	vimm.f32 $+Inf;
	v5 =	vadd.f32 v1, v0  }
0xa9: {  	v12 =	vimm.f32 $+Inf;
	v10 =	vimm.f32 $+Inf;
	v1 =	vadd.f32 v2, v0  }
0xaa: {  	v8 =	vadd.f32 v3, v0;
	v34 =	vadd.f32 v6, v0;
	v4 =	vmax.f32 v18, v5  }
0xab: {  	v11 =	vimm.f32 $+Inf;
	v7 =	vmin.f32 v18, v1;
	v3 =	vmax.f32 v18, v4  }
0xac: {  	v6 =	vmin.f32 v18, v8;
	v0 =	vmin.f32 v18, v34;
	v2 =	vmax.f32 v18, v3  }
0xad: {  	s24 =	simm.s32 $0x10;
	s21 =	simm.s32 $0x80;
	v37 =	vmax.f32 v18, v1;
	v36 =	vmax.f32 v18, v8;
	v9 =	vmax.f32 v18, v2  }
0xae: {  	s23 =	simm.s32 $0x20;
	s22 =	simm.s32 $0x10;
	s25 =	sand.u32 $0x3C00, s21;
	v8 =	vimm.f32 $+Inf;
	v33 =	vmovc v7;
	v1 =	vmin.f32 v18, v9;
	v9 =	vimm.f32 $+Inf  }
.LBB2_11:
0xaf: {  	p0 =	sne.s32 s23, $0x7F0;
	s24 =	sand.u32 $0x70, s24;
	s25 =	sadd.s32 s25, s20;
	v18 =	vmin.f32 v18, v37;
	v21 =	vmin.f32 v21, v36;
	v34 =	vmax.f32 v35, v34;
	v38 =	vmovc v6  }
0xb0: {  	v35 =	vmax.f32 v27, v37;
	v36 =	vmax.f32 v30, v36;
	v39 =	vld [tilespmem:s22+$0x0];
	s25 =	sadd.s32 s24, s25;
	v22 =	vmin.f32 v22, v34;
	v27 =	vmovc v18;
	s24 =	smov.u32 s23  }
0xb1: {  	v23 =	vmin.f32 v23, v35;
	v19 =	vmin.f32 v19, v36;
	v34 =	vmax.f32 v29, v34;
	v30 =	vmovc v21;
	v37 =	vld [tilespmem:s25+$0x180]  }
0xb2: {  	v35 =	vmax.f32 v31, v35;
	v41 =	vmax.f32 v28, v36;
	v13 =	vmin.f32 v13, v34;
	v29 =	vmovc v22;
	v40 =	vld [tilespmem:s25+$0x0]  }
0xb3: {  	v25 =	vmin.f32 v25, v35;
	v20 =	vmin.f32 v20, v41;
	v42 =	vmax.f32 v16, v34;
	v31 =	vmovc v23;
	v36 =	vld [tilespmem:s25+$0x80]  }
0xb4: {  	v35 =	vmax.f32 v32, v35;
	v41 =	vmax.f32 v24, v41;
	v28 =	vmovc v19;
	v14 =	vmin.f32 v14, v42;
	v34 =	vld [tilespmem:s25+$0x100]  }
0xb5: {  	v26 =	vmin.f32 v26, v35;
	v17 =	vmin.f32 v17, v41;
	v41 =	vmax.f32 v15, v42;
	v16 =	vmovc v13  }
0xb6: {  	v32 =	vmovc v25;
	v24 =	vmovc v20;
	v12 =	vmin.f32 v12, v41;
	v15 =	vmov v14;
	v37 =	vadd.f32 v37, v39  }
0xb7: {  	v10 =	vmin.f32 v10, v5;
	v35 =	vmov v0;
	v40 =	vadd.f32 v40, v39  }
.Ltmp4:
0xb8: {  	v11 =	vmin.f32 v11, v4;
	v36 =	vadd.f32 v36, v39;
	v4 =	vmax.f32 v10, v37;
	v5 =	vmovc v37;
	(pc) =	sbr.rel @p0 .LBB2_11-.Ltmp4, $4  }
0xb9: {  	v9 =	vmin.f32 v9, v3;
	v34 =	vadd.f32 v34, v39;
	v3 =	vmax.f32 v11, v4  }
0xba: {  	v8 =	vmin.f32 v8, v2;
	v7 =	vmin.f32 v7, v40;
	v2 =	vmax.f32 v9, v3  }
0xbb: {  	s21 =	sadd.s32 $0x80, s21;
	v6 =	vmin.f32 v6, v36;
	v0 =	vmin.f32 v0, v34;
	v39 =	vmax.f32 v8, v2  }
0xbc: {  	s23 =	sadd.s32 $0x10, s23;
	s22 =	sadd.s32 $0x10, s22;
	s25 =	sand.u32 $0x3C00, s21;
	v37 =	vmax.f32 v33, v40;
	v36 =	vmax.f32 v38, v36;
	v33 =	vmovc v7;
	v1 =	vmin.f32 v1, v39  }
0xbd: {  	s21 =	sand.u32 $0x70, s24;
	s20 =	sadd.s32 s25, s20  }
0xbe: {  	v38 =	vld [tilespmem:s22+$0x0];
	s20 =	sadd.s32 s21, s20  }
0xbf: {  	v39 =	vld [tilespmem:s20+$0x0]  }
0xc0: {  	v56 =	vld [tilespmem:s20+$0x80];
	_ =	sdelay $0x1  }
0xc1: {  	v18 =	vmin.f32 v18, v37;
	v34 =	vmax.f32 v35, v34;
	v62 =	vld [tilespmem:s20+$0x180]  }
0xc2: {  	v27 =	vmax.f32 v27, v37;
	v21 =	vmin.f32 v21, v36;
	v30 =	vmax.f32 v30, v36  }
0xc3: {  	v5 =	vmin.f32 v10, v5;
	v4 =	vmin.f32 v11, v4;
	v39 =	vadd.f32 v39, v38  }
0xc4: {  	v3 =	vmin.f32 v9, v3;
	v2 =	vmin.f32 v8, v2;
	v59 =	vld [tilespmem:s20+$0x100];
	v60 =	vadd.f32 v56, v38  }
0xc5: {  	s19 =	sand.u32 $0x3FFFFE00, s19;
	v22 =	vmin.f32 v22, v34;
	v23 =	vmin.f32 v23, v27;
	v7 =	vmin.f32 v7, v39  }
0xc6: {  	v47 =	vadd.f32 v62, v38;
	v33 =	vmax.f32 v33, v39;
	v50 =	vmin.f32 v6, v60;
	[tilespmem:s19+$0x11840] =	vst v7  }
0xc7: {  	v63 =	vmax.f32 v6, v60;
	v57 =	vmax.f32 v18, v33;
	v18 =	vmin.f32 v18, v33;
	[tilespmem:s19+$0x118C0] =	vst v50  }
0xc8: {  	v29 =	vmax.f32 v29, v34;
	v53 =	vmax.f32 v5, v47;
	v48 =	vmin.f32 v21, v63;
	[tilespmem:s19+$0x11830] =	vst v18  }
0xc9: {  	v27 =	vmax.f32 v31, v27;
	v40 =	vadd.f32 v59, v38;
	v62 =	vmin.f32 v4, v53;
	[tilespmem:s19+$0x118B0] =	vst v48  }
0xca: {  	v19 =	vmin.f32 v19, v30;
	v36 =	vmax.f32 v21, v63;
	v63 =	vmin.f32 v5, v47;
	[tilespmem:s19+$0x119B0] =	vst v62  }
0xcb: {  	v43 =	vmax.f32 v0, v40;
	v58 =	vmax.f32 v23, v57;
	v23 =	vmin.f32 v23, v57;
	[tilespmem:s19+$0x119C0] =	vst v63  }
0xcc: {  	v13 =	vmin.f32 v13, v29;
	v46 =	vmax.f32 v22, v43;
	v45 =	vmin.f32 v19, v36;
	[tilespmem:s19+$0x11820] =	vst v23  }
0xcd: {  	v28 =	vmax.f32 v28, v30;
	v25 =	vmin.f32 v25, v27;
	v55 =	vmin.f32 v13, v46;
	[tilespmem:s19+$0x118A0] =	vst v45  }
0xce: {  	v20 =	vmin.f32 v20, v28;
	v16 =	vmax.f32 v16, v29;
	v57 =	vmin.f32 v22, v43;
	[tilespmem:s19+$0x11920] =	vst v55  }
0xcf: {  	v37 =	vmax.f32 v19, v36;
	v61 =	vmax.f32 v25, v58;
	v25 =	vmin.f32 v25, v58;
	[tilespmem:s19+$0x11930] =	vst v57  }
0xd0: {  	v42 =	vmin.f32 v14, v16;
	v49 =	vmax.f32 v13, v46;
	v44 =	vmin.f32 v20, v37;
	[tilespmem:s19+$0x11810] =	vst v25  }
0xd1: {  	v27 =	vmax.f32 v32, v27;
	v54 =	vmax.f32 v4, v53;
	v7 =	vmin.f32 v42, v49;
	[tilespmem:s19+$0x11890] =	vst v44  }
0xd2: {  	v24 =	vmax.f32 v24, v28;
	v56 =	vmax.f32 v3, v54;
	v58 =	vmin.f32 v0, v40;
	[tilespmem:s19+$0x11910] =	vst v7  }
0xd3: {  	s18 =	sadd.s32 $0x1, s18;
	v26 =	vmin.f32 v26, v27;
	v17 =	vmin.f32 v17, v24;
	v60 =	vmin.f32 v2, v56;
	[tilespmem:s19+$0x11940] =	vst v58  }
0xd4: {  	p0 =	sne.s32 s18, $0x4;
	v15 =	vmax.f32 v15, v16;
	v41 =	vmax.f32 v20, v37;
	v26 =	vmin.f32 v26, v61;
	[tilespmem:s19+$0x11990] =	vst v60  }
.Ltmp5:
0xd5: {  	v12 =	vmin.f32 v12, v15;
	v51 =	vmax.f32 v42, v49;
	v17 =	vmin.f32 v17, v41;
	[tilespmem:s19+$0x11800] =	vst v26;
	(pc) =	sbr.rel @p0 .LBB2_10-.Ltmp5, $4  }
0xd6: {  	v59 =	vmax.f32 v2, v56;
	v52 =	vmin.f32 v12, v51;
	[tilespmem:s19+$0x11880] =	vst v17  }
0xd7: {  	v1 =	vmin.f32 v1, v59;
	[tilespmem:s19+$0x11900] =	vst v52  }
0xd8: {  	v61 =	vmin.f32 v3, v54;
	[tilespmem:s19+$0x11980] =	vst v1  }
0xd9: {  	[tilespmem:s19+$0x119A0] =	vst v61  }
0xda: {  	_ =	swait.ge [sflag:s14], $0x8000  }
0xdb: {  	[sflag:s14] =	ssyncset.done $0x0  }
0xdc: {  	s17 =	simm.s32 $0x0;
	s18 =	simm.s32 $0x0;
	[sflag:s14] =	ssyncadd.s32 $0xFFFF8000  }
.LBB2_14:
0xdd: {  	s19 =	sshll.u32 s18, $0x9;
	s20 =	sshll.u32 s18, $0xD  }
0xde: {  	s20 =	sand.u32 $0x4000, s20;
	s21 =	sand.u32 $0x200, s19  }
0xdf: {  	s20 =	sor.u32 s21, s20  }
0xe0: {  	s31 =	sand.u32 $0x3C00, s17;
	s20 =	sor.u32 $0x8800, s20  }
0xe1: {  	s22 =	sand.u32 $0x70, s17;
	s21 =	sadd.s32 s31, s20  }
0xe2: {  	v0 =	vld [tilespmem:s17+$0x0];
	v18 =	vimm.f32 $+Inf;
	s21 =	sadd.s32 s22, s21  }
0xe3: {  	v21 =	vimm.f32 $+Inf;
	v35 =	vimm.f32 $+Inf;
	v27 =	vimm.f32 $+Inf;
	v1 =	vld [tilespmem:s21+$0x180]  }
0xe4: {  	v30 =	vimm.f32 $+Inf;
	v22 =	vimm.f32 $+Inf;
	v23 =	vimm.f32 $+Inf;
	v2 =	vld [tilespmem:s21+$0x0]  }
0xe5: {  	v19 =	vimm.f32 $+Inf;
	v29 =	vimm.f32 $+Inf;
	v31 =	vimm.f32 $+Inf;
	v3 =	vld [tilespmem:s21+$0x80]  }
0xe6: {  	v28 =	vimm.f32 $+Inf;
	v13 =	vimm.f32 $+Inf;
	v25 =	vimm.f32 $+Inf;
	v6 =	vld [tilespmem:s21+$0x100]  }
0xe7: {  	v20 =	vimm.f32 $+Inf;
	v16 =	vimm.f32 $+Inf;
	v32 =	vimm.f32 $+Inf  }
0xe8: {  	v24 =	vimm.f32 $+Inf;
	v14 =	vimm.f32 $+Inf;
	v26 =	vimm.f32 $+Inf  }
0xe9: {  	v17 =	vimm.f32 $+Inf;
	v15 =	vimm.f32 $+Inf;
	v5 =	vadd.f32 v1, v0  }
0xea: {  	v12 =	vimm.f32 $+Inf;
	v10 =	vimm.f32 $+Inf;
	v1 =	vadd.f32 v2, v0  }
0xeb: {  	v8 =	vadd.f32 v3, v0;
	v34 =	vadd.f32 v6, v0;
	v4 =	vmax.f32 v18, v5  }
0xec: {  	v11 =	vimm.f32 $+Inf;
	v7 =	vmin.f32 v18, v1;
	v3 =	vmax.f32 v18, v4  }
0xed: {  	v6 =	vmin.f32 v18, v8;
	v0 =	vmin.f32 v18, v34;
	v2 =	vmax.f32 v18, v3  }
0xee: {  	s24 =	simm.s32 $0x10;
	s21 =	simm.s32 $0x80;
	v37 =	vmax.f32 v18, v1;
	v36 =	vmax.f32 v18, v8;
	v9 =	vmax.f32 v18, v2  }
0xef: {  	s23 =	simm.s32 $0x20;
	s22 =	simm.s32 $0x10;
	s25 =	sand.u32 $0x3C00, s21;
	v8 =	vimm.f32 $+Inf;
	v33 =	vmovc v7;
	v1 =	vmin.f32 v18, v9;
	v9 =	vimm.f32 $+Inf  }
.LBB2_15:
0xf0: {  	p0 =	sne.s32 s23, $0x7F0;
	s24 =	sand.u32 $0x70, s24;
	s25 =	sadd.s32 s25, s20;
	v18 =	vmin.f32 v18, v37;
	v21 =	vmin.f32 v21, v36;
	v34 =	vmax.f32 v35, v34;
	v38 =	vmovc v6  }
0xf1: {  	v35 =	vmax.f32 v27, v37;
	v36 =	vmax.f32 v30, v36;
	v39 =	vld [tilespmem:s22+$0x0];
	s25 =	sadd.s32 s24, s25;
	v22 =	vmin.f32 v22, v34;
	v27 =	vmovc v18;
	s24 =	smov.u32 s23  }
0xf2: {  	v23 =	vmin.f32 v23, v35;
	v19 =	vmin.f32 v19, v36;
	v34 =	vmax.f32 v29, v34;
	v30 =	vmovc v21;
	v37 =	vld [tilespmem:s25+$0x180]  }
0xf3: {  	v35 =	vmax.f32 v31, v35;
	v41 =	vmax.f32 v28, v36;
	v13 =	vmin.f32 v13, v34;
	v29 =	vmovc v22;
	v40 =	vld [tilespmem:s25+$0x0]  }
0xf4: {  	v25 =	vmin.f32 v25, v35;
	v20 =	vmin.f32 v20, v41;
	v42 =	vmax.f32 v16, v34;
	v31 =	vmovc v23;
	v36 =	vld [tilespmem:s25+$0x80]  }
0xf5: {  	v35 =	vmax.f32 v32, v35;
	v41 =	vmax.f32 v24, v41;
	v28 =	vmovc v19;
	v14 =	vmin.f32 v14, v42;
	v34 =	vld [tilespmem:s25+$0x100]  }
0xf6: {  	v26 =	vmin.f32 v26, v35;
	v17 =	vmin.f32 v17, v41;
	v41 =	vmax.f32 v15, v42;
	v16 =	vmovc v13  }
0xf7: {  	v32 =	vmovc v25;
	v24 =	vmovc v20;
	v12 =	vmin.f32 v12, v41;
	v15 =	vmov v14;
	v37 =	vadd.f32 v37, v39  }
0xf8: {  	v10 =	vmin.f32 v10, v5;
	v35 =	vmov v0;
	v40 =	vadd.f32 v40, v39  }
.Ltmp6:
0xf9: {  	v11 =	vmin.f32 v11, v4;
	v36 =	vadd.f32 v36, v39;
	v4 =	vmax.f32 v10, v37;
	v5 =	vmovc v37;
	(pc) =	sbr.rel @p0 .LBB2_15-.Ltmp6, $4  }
0xfa: {  	v9 =	vmin.f32 v9, v3;
	v34 =	vadd.f32 v34, v39;
	v3 =	vmax.f32 v11, v4  }
0xfb: {  	v8 =	vmin.f32 v8, v2;
	v7 =	vmin.f32 v7, v40;
	v2 =	vmax.f32 v9, v3  }
0xfc: {  	s21 =	sadd.s32 $0x80, s21;
	v6 =	vmin.f32 v6, v36;
	v0 =	vmin.f32 v0, v34;
	v39 =	vmax.f32 v8, v2  }
0xfd: {  	s23 =	sadd.s32 $0x10, s23;
	s22 =	sadd.s32 $0x10, s22;
	s25 =	sand.u32 $0x3C00, s21;
	v37 =	vmax.f32 v33, v40;
	v36 =	vmax.f32 v38, v36;
	v33 =	vmovc v7;
	v1 =	vmin.f32 v1, v39  }
0xfe: {  	s21 =	sand.u32 $0x70, s24;
	s20 =	sadd.s32 s25, s20  }
0xff: {  	v38 =	vld [tilespmem:s22+$0x0];
	s20 =	sadd.s32 s21, s20  }
0x100: {  	v39 =	vld [tilespmem:s20+$0x0]  }
0x101: {  	v56 =	vld [tilespmem:s20+$0x80];
	_ =	sdelay $0x1  }
0x102: {  	v18 =	vmin.f32 v18, v37;
	v34 =	vmax.f32 v35, v34;
	v62 =	vld [tilespmem:s20+$0x180]  }
0x103: {  	v27 =	vmax.f32 v27, v37;
	v21 =	vmin.f32 v21, v36;
	v30 =	vmax.f32 v30, v36  }
0x104: {  	v5 =	vmin.f32 v10, v5;
	v4 =	vmin.f32 v11, v4;
	v39 =	vadd.f32 v39, v38  }
0x105: {  	v3 =	vmin.f32 v9, v3;
	v2 =	vmin.f32 v8, v2;
	v59 =	vld [tilespmem:s20+$0x100];
	v60 =	vadd.f32 v56, v38  }
0x106: {  	s19 =	sand.u32 $0x3FFFFE00, s19;
	v22 =	vmin.f32 v22, v34;
	v23 =	vmin.f32 v23, v27;
	v7 =	vmin.f32 v7, v39  }
0x107: {  	v47 =	vadd.f32 v62, v38;
	v33 =	vmax.f32 v33, v39;
	v50 =	vmin.f32 v6, v60;
	[tilespmem:s19+$0x12040] =	vst v7  }
0x108: {  	v63 =	vmax.f32 v6, v60;
	v57 =	vmax.f32 v18, v33;
	v18 =	vmin.f32 v18, v33;
	[tilespmem:s19+$0x120C0] =	vst v50  }
0x109: {  	v29 =	vmax.f32 v29, v34;
	v53 =	vmax.f32 v5, v47;
	v48 =	vmin.f32 v21, v63;
	[tilespmem:s19+$0x12030] =	vst v18  }
0x10a: {  	v27 =	vmax.f32 v31, v27;
	v40 =	vadd.f32 v59, v38;
	v62 =	vmin.f32 v4, v53;
	[tilespmem:s19+$0x120B0] =	vst v48  }
0x10b: {  	v19 =	vmin.f32 v19, v30;
	v36 =	vmax.f32 v21, v63;
	v63 =	vmin.f32 v5, v47;
	[tilespmem:s19+$0x121B0] =	vst v62  }
0x10c: {  	v43 =	vmax.f32 v0, v40;
	v58 =	vmax.f32 v23, v57;
	v23 =	vmin.f32 v23, v57;
	[tilespmem:s19+$0x121C0] =	vst v63  }
0x10d: {  	v13 =	vmin.f32 v13, v29;
	v46 =	vmax.f32 v22, v43;
	v45 =	vmin.f32 v19, v36;
	[tilespmem:s19+$0x12020] =	vst v23  }
0x10e: {  	v28 =	vmax.f32 v28, v30;
	v25 =	vmin.f32 v25, v27;
	v55 =	vmin.f32 v13, v46;
	[tilespmem:s19+$0x120A0] =	vst v45  }
0x10f: {  	v20 =	vmin.f32 v20, v28;
	v16 =	vmax.f32 v16, v29;
	v57 =	vmin.f32 v22, v43;
	[tilespmem:s19+$0x12120] =	vst v55  }
0x110: {  	v37 =	vmax.f32 v19, v36;
	v61 =	vmax.f32 v25, v58;
	v25 =	vmin.f32 v25, v58;
	[tilespmem:s19+$0x12130] =	vst v57  }
0x111: {  	v42 =	vmin.f32 v14, v16;
	v49 =	vmax.f32 v13, v46;
	v44 =	vmin.f32 v20, v37;
	[tilespmem:s19+$0x12010] =	vst v25  }
0x112: {  	v27 =	vmax.f32 v32, v27;
	v54 =	vmax.f32 v4, v53;
	v7 =	vmin.f32 v42, v49;
	[tilespmem:s19+$0x12090] =	vst v44  }
0x113: {  	v24 =	vmax.f32 v24, v28;
	v56 =	vmax.f32 v3, v54;
	v58 =	vmin.f32 v0, v40;
	[tilespmem:s19+$0x12110] =	vst v7  }
0x114: {  	s18 =	sadd.s32 $0x1, s18;
	v26 =	vmin.f32 v26, v27;
	v17 =	vmin.f32 v17, v24;
	v60 =	vmin.f32 v2, v56;
	[tilespmem:s19+$0x12140] =	vst v58  }
0x115: {  	p0 =	sne.s32 s18, $0x4;
	v15 =	vmax.f32 v15, v16;
	v41 =	vmax.f32 v20, v37;
	v26 =	vmin.f32 v26, v61;
	[tilespmem:s19+$0x12190] =	vst v60  }
.Ltmp7:
0x116: {  	v12 =	vmin.f32 v12, v15;
	v51 =	vmax.f32 v42, v49;
	v17 =	vmin.f32 v17, v41;
	[tilespmem:s19+$0x12000] =	vst v26;
	(pc) =	sbr.rel @p0 .LBB2_14-.Ltmp7, $4  }
0x117: {  	v59 =	vmax.f32 v2, v56;
	v52 =	vmin.f32 v12, v51;
	[tilespmem:s19+$0x12080] =	vst v17  }
0x118: {  	v1 =	vmin.f32 v1, v59;
	[tilespmem:s19+$0x12100] =	vst v52  }
0x119: {  	v61 =	vmin.f32 v3, v54;
	[tilespmem:s19+$0x12180] =	vst v1  }
0x11a: {  	[tilespmem:s19+$0x121A0] =	vst v61  }
0x11b: {  	s16 =	sadd.s32 $0x1, s16  }
0x11c: {  	p0 =	sne.s32 s16, s9  }
.Ltmp8:
0x11d: {  	_ = 	snop;
	(pc) =	sbr.rel @p0 .LBB2_1-.Ltmp8, $4  }
0x11e: {  	[hbm4b:s8+s2] =	stream.linear.scatter [tilespmem:s15], [sflag:$0x3], $0x2000, $0x38;
	[tilespmem:$0x12800] =	vst v63  }
0x11f: {  	_ =	swait.ge [sflag:s10], $0x2000  }
0x120: {  	[sflag:s10] =	ssyncset.done $0x0  }
0x121: {  	[sflag:s10] =	ssyncadd.s32 $0xFFFFE000  }
0x122: {  	_ =	sfence.sel $0x180000  }
0x123: {  	[bflag:$0x0] =	sbarrier.arrive $0xFFFF  }
0x124: {  	p0 =	sne.s32 s0, $0x0;
	_ =	strace $0x90000047  }
0x125: {  	s0 =	sadd.s32 @!p0 $0x100000, s1;
	[bflag:$0x2] =	sbarrier.arrive $0xFFFF  }
0x126: {  	[sflag:s0] =	ssyncadd.tile.s32 @!p0 $0x1;
	_ =	shalt  }
.Lfunc_end2:
_tile_overlayer_lowered:
.L_overlay_start_2:
0x127: {  	(tag) =	ssettag $0x2  }
0x128: {  	s0 =	rddreg [dreg:$0x0];
	s2 =	stileid.u32  }
0x129: {  	s1 =	rddreg [dreg:$0x1];
	p0 =	sne.s32 s2, $0x0  }
0x12a: {  	s3 =	rddreg [dreg:$0x2];
	[bflag:$0x3] =	sbarrier.arrive $0xFFFF;
	s2 =	simm.s32 @!p0 $0x1C03  }
0x12b: {  	[timem:s3], [sflag:s2] =	dma.local @!p0 [hbm:s0], s1  }
0x12c: {  	s0 =	simm.s32 @!p0 $0x3  }
0x12d: {  	_ =	swait.ge @!p0 [sflag:s0], s1  }
0x12e: {  	s1 =	ssub.s32 @!p0 $0x0, s1;
	[sflag:s0] =	ssyncset.done @!p0 $0x0  }
0x12f: {  	[sflag:s0] =	ssyncadd.s32 @!p0 s1  }
0x130: {  	[bflag:$0x3] =	sbarrier.arrive $0xFFFF  }
0x131: {  	_ =	shalt  }

</sc_bundles>
